<compile_context>
chip_gen: v7x
topology: tpu7x:2x2x1
jax: 0.10.2.dev20260603
libtpu: 0.0.44.dev20260713+nightly
codegen_flags: <defaults>
</compile_context>

<pallas_src>
import functools

import jax
import jax.numpy as jnp
from jax import lax
from jax.experimental import pallas as pl
from jax.experimental.pallas import tpu as pltpu
from jax.experimental.pallas import tpu_sc as plsc

B = 4096
N_CAT = 8
CAT_VOCAB = 1000
NC, NS = 2, 16
NW = NC * NS
BPW = B // NW
ID_W = 32
NUM_W = 64
CAT_W = 16
EMB_W = ID_W + N_CAT * CAT_W
HID = 128
OUT_W = 64
LANES = 16


@functools.lru_cache(maxsize=None)
def _make_sc_gather():
    mesh = plsc.VectorSubcoreMesh(core_axis_name="c", subcore_axis_name="s")

    @functools.partial(
        pl.kernel,
        mesh=mesh,
        out_type=(
            jax.ShapeDtypeStruct((NW, N_CAT * BPW, CAT_W), jnp.float32),
            jax.ShapeDtypeStruct((B, 128), jnp.float32),
        ),
        scratch_types=[
            pltpu.VMEM((BPW,), jnp.int32),
            pltpu.VMEM((N_CAT, BPW), jnp.int32),
            pltpu.VMEM((BPW, ID_W), jnp.float32),
            pltpu.VMEM((N_CAT * BPW, CAT_W), jnp.float32),
            pltpu.SemaphoreType.DMA,
            pltpu.SemaphoreType.DMA,
        ],
        compiler_params=pltpu.CompilerParams(use_tc_tiling_on_sc=False),
    )
    def _sc(idt_hbm, cat_hbm, uid_hbm, cf_hbm, outc_hbm, outn_hbm,
            ids_v, cidx_v, id_rows, cat_rows, sem, sem2):
        wid = lax.axis_index("s") * NC + lax.axis_index("c")
        base = wid * BPW
        idx_loads = [
            pltpu.async_copy(uid_hbm.at[pl.ds(base, BPW)], ids_v, sem),
            pltpu.async_copy(cf_hbm.at[wid], cidx_v, sem),
        ]
        for c in idx_loads:
            c.wait()
        copies = [pltpu.async_copy(idt_hbm.at[ids_v], id_rows, sem)]
        offs = CAT_VOCAB * lax.rem(lax.iota(jnp.int32, LANES),
                                   jnp.full((LANES,), N_CAT, jnp.int32))
        for j in range(N_CAT):
            for k in range(BPW // LANES):
                sl = pl.ds(LANES * k, LANES)
                cidx_v[j, sl] = cidx_v[j, sl] + offs
            copies.append(
                pltpu.async_copy(cat_hbm.at[cidx_v.at[j]],
                                 cat_rows.at[pl.ds(BPW * j, BPW)], sem)
            )
        copies[0].wait()
        stores = [
            pltpu.async_copy(id_rows,
                             outn_hbm.at[pl.ds(base, BPW), pl.ds(0, ID_W)],
                             sem2)
        ]
        for j in range(N_CAT):
            copies[1 + j].wait()
            stores.append(
                pltpu.async_copy(
                    cat_rows.at[pl.ds(BPW * j, BPW)],
                    outc_hbm.at[wid].at[pl.ds(BPW * j, BPW)],
                    sem2,
                )
            )
        for st in stores:
            st.wait()

    return _sc


def _mlp_body(c_ref, n_ref, num_ref, w1_ref, b1_ref, w2_ref, b2_ref, o_ref):
    c = c_ref[...]
    n = n_ref[...]
    w1 = w1_ref[...]
    h = jnp.dot(n[:, 0:ID_W], w1[0:ID_W], preferred_element_type=jnp.float32)
    h = h + jnp.dot(c, w1[ID_W:ID_W + N_CAT * CAT_W],
                    preferred_element_type=jnp.float32)
    h = h + jnp.dot(num_ref[...], w1[EMB_W:],
                    preferred_element_type=jnp.float32)
    h = jnp.maximum(h + b1_ref[...], 0.0)
    out = jnp.dot(h, w2_ref[...], preferred_element_type=jnp.float32) + b2_ref[...]
    ss = jnp.sum(out * out, axis=1, keepdims=True)
    o_ref[...] = out / jnp.maximum(jnp.sqrt(ss), 1e-12)


def _mlp(outc, outn, numeric, w1, b1, w2, b2, blk=2048):
    grid = (B // blk,)
    return pl.pallas_call(
        _mlp_body,
        grid=grid,
        in_specs=[
            pl.BlockSpec((blk, 128), lambda i: (i, 0)),
            pl.BlockSpec((blk, 128), lambda i: (i, 0)),
            pl.BlockSpec((blk, NUM_W), lambda i: (i, 0)),
            pl.BlockSpec((EMB_W + NUM_W, HID), lambda i: (0, 0)),
            pl.BlockSpec((HID,), lambda i: (0,)),
            pl.BlockSpec((HID, OUT_W), lambda i: (0, 0)),
            pl.BlockSpec((OUT_W,), lambda i: (0,)),
        ],
        out_specs=pl.BlockSpec((blk, OUT_W), lambda i: (i, 0)),
        out_shape=jax.ShapeDtypeStruct((B, OUT_W), jnp.float32),
    )(outc, outn, numeric, w1, b1, w2, b2)


def kernel(user_ids, user_cat_feats, user_numeric_feats, user_id_table,
           cat_tables, W1, b1, W2, b2):
    uid = user_ids.astype(jnp.int32)
    cf = user_cat_feats.astype(jnp.int32).reshape(NW, N_CAT, BPW)
    catf = cat_tables.reshape(N_CAT * CAT_VOCAB, CAT_W)
    outc4, outn = _make_sc_gather()(user_id_table, catf, uid, cf)
    return _mlp(outc4.reshape(B, 128), outn, user_numeric_feats,
                W1, b1, W2, b2)

# --- scband reference (transcript-rebuilt; emitter-appended) ---
"""Pipeline reference for scband-user-tower-13305808683032 (READ-ONLY COPY).

The authoritative reference and input builder live on the scoring server;
editing this copy changes nothing except your own understanding.
"""

import jax, jax.numpy as jnp
import numpy as np

B = 4096
N_CAT = 8
CAT_VOCAB = 1000
CAT_EMB = 16
USER_VOCAB = 7176
USER_EMB = 32
NUM_NUMERIC = 64
INPUT_DIM = USER_EMB + N_CAT * CAT_EMB + NUM_NUMERIC  # 224
HIDDEN = 128
OUT = 64


def setup_inputs(seed: int = 0) -> dict:
    key = jax.random.key(seed)
    ks = jax.random.split(key, 10)
    user_ids = jax.random.randint(ks[0], (B,), 0, USER_VOCAB)
    user_cat_feats = jax.random.randint(ks[1], (B, N_CAT), 0, CAT_VOCAB)
    user_numeric_feats = jax.random.normal(ks[2], (B, NUM_NUMERIC), dtype=jnp.float32)
    user_id_table = jax.random.normal(ks[3], (USER_VOCAB, USER_EMB), dtype=jnp.float32) * 0.02
    cat_tables = jax.random.normal(ks[4], (N_CAT, CAT_VOCAB, CAT_EMB), dtype=jnp.float32) * 0.02
    W1 = jax.random.normal(ks[5], (INPUT_DIM, HIDDEN), dtype=jnp.float32) * (1.0 / np.sqrt(INPUT_DIM))
    b1 = jnp.zeros((HIDDEN,), dtype=jnp.float32)
    W2 = jax.random.normal(ks[6], (HIDDEN, OUT), dtype=jnp.float32) * (1.0 / np.sqrt(HIDDEN))
    b2 = jnp.zeros((OUT,), dtype=jnp.float32)
    return {
        "user_ids": user_ids,
        "user_cat_feats": user_cat_feats,
        "user_numeric_feats": user_numeric_feats,
        "user_id_table": user_id_table,
        "cat_tables": cat_tables,
        "W1": W1,
        "b1": b1,
        "W2": W2,
        "b2": b2,
    }


def reference(user_ids, user_cat_feats, user_numeric_feats, user_id_table, cat_tables, W1, b1, W2, b2):
    # Embedding lookups (gather)
    id_emb = jnp.take(user_id_table, user_ids, axis=0)
    cat_embs = jnp.concatenate(
        [jnp.take(cat_tables[i], user_cat_feats[:, i], axis=0) for i in range(N_CAT)],
        axis=1,
    )
    tower_input = jnp.concatenate((id_emb, cat_embs, user_numeric_feats), axis=1)
    # MLP tower (Dropout is identity in eval mode)
    h = jnp.maximum(tower_input @ W1 + b1, 0.0)
    out = h @ W2 + b2
    # F.normalize (L2 over dim=1, eps=1e-12)
    norm = jnp.sqrt(jnp.sum(out * out, axis=1, keepdims=True))
    user_embedding = out / jnp.maximum(norm, 1e-12)
    return user_embedding

if __name__ == "__main__":
    import jax
    _d = setup_inputs()
    print(jax.jit(kernel)(*tuple(_d.values())))

</pallas_src>

<mosaic_0001>
#map = affine_map<(d0, d1) -> (0, 0)>
#map1 = affine_map<(d0, d1) -> (0)>
#map2 = affine_map<(d0, d1) -> (0, 0, 0)>
module attributes {stable_mosaic.version = 14 : i64} {
  func.func @_sc(%arg0: i32, %arg1: i32, %arg2: memref<7176x32xf32, #tpu.memory_space<hbm>>, %arg3: memref<8000x16xf32, #tpu.memory_space<hbm>>, %arg4: memref<4096xi32, #tpu.memory_space<hbm>>, %arg5: memref<32x8x128xi32, #tpu.memory_space<hbm>>, %arg6: memref<32x1024x16xf32, #tpu.memory_space<hbm>>, %arg7: memref<4096x128xf32, #tpu.memory_space<hbm>>, %arg8: memref<128xi32, #tpu.memory_space<vmem>>, %arg9: memref<8x128xi32, #tpu.memory_space<vmem>>, %arg10: memref<128x32xf32, #tpu.memory_space<vmem>>, %arg11: memref<1024x16xf32, #tpu.memory_space<vmem>>, %arg12: memref<!tpu.dma_semaphore, #tpu.memory_space<semaphore_mem>>, %arg13: memref<!tpu.dma_semaphore, #tpu.memory_space<semaphore_mem>>) attributes {dimension_semantics = [#tpu.dimension_semantics<core_parallel>, #tpu.dimension_semantics<subcore_parallel>], iteration_bounds = array<i64: 2, 16>, scalar_prefetch = 0 : i64, scratch_operands = 6 : i64, tpu.core_type = #tpu.core_type<sc_vector_subcore>, window_params = [{transform_indices = #map}, {transform_indices = #map}, {transform_indices = #map1}, {transform_indices = #map2}, {transform_indices = #map2}, {transform_indices = #map}]} {
    %mul3A = arith.constant 2 : i32
    %mul3A_0 = arith.muli %arg1, %mul3A : i32
    %add3A = arith.addi %mul3A_0, %arg0 : i32
    %mul3A_1 = arith.constant 128 : i32
    %mul3A_2 = arith.muli %add3A, %mul3A_1 : i32
    %dma_start3A = tpu.memref_slice %arg4[%mul3A_2] : memref<4096xi32, #tpu.memory_space<hbm>> -> memref<128xi32, #tpu.memory_space<hbm>>
    %dma_start3A_3 = tpu.memref_slice %arg4[%mul3A_2] : memref<4096xi32, #tpu.memory_space<hbm>> -> memref<128xi32, #tpu.memory_space<hbm>>
    tpu.enqueue_dma source(%dma_start3A_3 : memref<128xi32, #tpu.memory_space<hbm>>) target(%arg8 : memref<128xi32, #tpu.memory_space<vmem>>) target_semaphore(%arg12 : memref<!tpu.dma_semaphore, #tpu.memory_space<semaphore_mem>>)
    %dma_start3A_4 = arith.constant 0 : i32
    %dma_start3A_5 = arith.constant 0 : i32
    %dma_start3A_6 = tpu.memref_slice %arg5[%add3A, %dma_start3A_4, %dma_start3A_5] : memref<32x8x128xi32, #tpu.memory_space<hbm>> -> memref<1x8x128xi32, #tpu.memory_space<hbm>>
    %dma_start3A_7 = tpu.memref_squeeze %dma_start3A_6 : memref<1x8x128xi32, #tpu.memory_space<hbm>> -> memref<8x128xi32, #tpu.memory_space<hbm>>
    %dma_start3A_8 = arith.constant 0 : i32
    %dma_start3A_9 = arith.constant 0 : i32
    %dma_start3A_10 = tpu.memref_slice %arg5[%add3A, %dma_start3A_8, %dma_start3A_9] : memref<32x8x128xi32, #tpu.memory_space<hbm>> -> memref<1x8x128xi32, #tpu.memory_space<hbm>>
    %dma_start3A_11 = tpu.memref_squeeze %dma_start3A_10 : memref<1x8x128xi32, #tpu.memory_space<hbm>> -> memref<8x128xi32, #tpu.memory_space<hbm>>
    tpu.enqueue_dma source(%dma_start3A_11 : memref<8x128xi32, #tpu.memory_space<hbm>>) target(%arg9 : memref<8x128xi32, #tpu.memory_space<vmem>>) target_semaphore(%arg12 : memref<!tpu.dma_semaphore, #tpu.memory_space<semaphore_mem>>)
    %dma_wait3A = tpu.memref_slice %arg4[%mul3A_2] : memref<4096xi32, #tpu.memory_space<hbm>> -> memref<128xi32, #tpu.memory_space<hbm>>
    %dma_wait3A_12 = tpu.memref_slice %arg4[%mul3A_2] : memref<4096xi32, #tpu.memory_space<hbm>> -> memref<128xi32, #tpu.memory_space<hbm>>
    tpu.wait_dma2 semaphore(%arg12 : memref<!tpu.dma_semaphore, #tpu.memory_space<semaphore_mem>>) src(%dma_wait3A_12 : memref<128xi32, #tpu.memory_space<hbm>>) dst(%arg8 : memref<128xi32, #tpu.memory_space<vmem>>)
    %dma_wait3A_13 = arith.constant 0 : i32
    %dma_wait3A_14 = arith.constant 0 : i32
    %dma_wait3A_15 = tpu.memref_slice %arg5[%add3A, %dma_wait3A_13, %dma_wait3A_14] : memref<32x8x128xi32, #tpu.memory_space<hbm>> -> memref<1x8x128xi32, #tpu.memory_space<hbm>>
    %dma_wait3A_16 = tpu.memref_squeeze %dma_wait3A_15 : memref<1x8x128xi32, #tpu.memory_space<hbm>> -> memref<8x128xi32, #tpu.memory_space<hbm>>
    %dma_wait3A_17 = arith.constant 0 : i32
    %dma_wait3A_18 = arith.constant 0 : i32
    %dma_wait3A_19 = tpu.memref_slice %arg5[%add3A, %dma_wait3A_17, %dma_wait3A_18] : memref<32x8x128xi32, #tpu.memory_space<hbm>> -> memref<1x8x128xi32, #tpu.memory_space<hbm>>
    %dma_wait3A_20 = tpu.memref_squeeze %dma_wait3A_19 : memref<1x8x128xi32, #tpu.memory_space<hbm>> -> memref<8x128xi32, #tpu.memory_space<hbm>>
    tpu.wait_dma2 semaphore(%arg12 : memref<!tpu.dma_semaphore, #tpu.memory_space<semaphore_mem>>) src(%dma_wait3A_20 : memref<8x128xi32, #tpu.memory_space<hbm>>) dst(%arg9 : memref<8x128xi32, #tpu.memory_space<vmem>>)
    %dma_start3A_21 = arith.constant 0 : i32
    %dma_start3A_22 = arith.constant 0 : i32
    %dma_start3A_23 = tpu.memref_slice %arg2[%dma_start3A_21, %dma_start3A_22] : memref<7176x32xf32, #tpu.memory_space<hbm>> -> memref<7176x32xf32, #tpu.memory_space<hbm>>
    tpu.enqueue_indirect_dma source(%dma_start3A_23 : memref<7176x32xf32, #tpu.memory_space<hbm>>) target(%arg10 : memref<128x32xf32, #tpu.memory_space<vmem>>) offsets(%arg8 : memref<128xi32, #tpu.memory_space<vmem>>) semaphore(%arg12 : memref<!tpu.dma_semaphore, #tpu.memory_space<semaphore_mem>>)
    %iota3A = tpu.iota {dimensions = array<i32: 0>} : vector<16xi32>
    %broadcast_in_dim3A = arith.constant 8 : i32
    %broadcast_in_dim3A_24 = vector.broadcast %broadcast_in_dim3A : i32 to vector<16xi32>
    %rem3A = arith.remsi %iota3A, %broadcast_in_dim3A_24 : vector<16xi32>
    %mul3A_25 = arith.constant 1000 : i32
    %mul3A_26 = vector.broadcast %mul3A_25 : i32 to vector<16xi32>
    %mul3A_27 = arith.muli %mul3A_26, %rem3A : vector<16xi32>
    %get3A = arith.constant 0 : i32
    %get3A_28 = arith.index_cast %get3A : i32 to index
    %get3A_29 = arith.constant 0 : index
    %get3A_30 = tpu.vector_load %arg9[%get3A_28, %get3A_29] {strides = array<i32>} : memref<8x128xi32, #tpu.memory_space<vmem>>, vector<1x16xi32>,
    %get3A_31 = vector.shape_cast %get3A_30 : vector<1x16xi32> to vector<16xi32>
    %add3A_32 = arith.addi %get3A_31, %mul3A_27 : vector<16xi32>
    %swap3A = arith.constant 0 : i32
    %swap3A_33 = arith.index_cast %swap3A : i32 to index
    %swap3A_34 = arith.constant 0 : index
    %swap3A_35 = tpu.vector_load %arg9[%swap3A_33, %swap3A_34] {strides = array<i32>} : memref<8x128xi32, #tpu.memory_space<vmem>>, vector<1x16xi32>,
    %swap3A_36 = vector.shape_cast %swap3A_35 : vector<1x16xi32> to vector<16xi32>
    %swap3A_37 = vector.shape_cast %add3A_32 : vector<16xi32> to vector<1x16xi32>
    tpu.vector_store %arg9[%swap3A_33, %swap3A_34], %swap3A_37 {strides = array<i32>} : memref<8x128xi32, #tpu.memory_space<vmem>>, vector<1x16xi32>,
    %get3A_38 = arith.constant 0 : i32
    %get3A_39 = arith.index_cast %get3A_38 : i32 to index
    %get3A_40 = arith.constant 16 : index
    %get3A_41 = tpu.vector_load %arg9[%get3A_39, %get3A_40] {strides = array<i32>} : memref<8x128xi32, #tpu.memory_space<vmem>>, vector<1x16xi32>,
    %get3A_42 = vector.shape_cast %get3A_41 : vector<1x16xi32> to vector<16xi32>
    %add3A_43 = arith.addi %get3A_42, %mul3A_27 : vector<16xi32>
    %swap3A_44 = arith.constant 0 : i32
    %swap3A_45 = arith.index_cast %swap3A_44 : i32 to index
    %swap3A_46 = arith.constant 16 : index
    %swap3A_47 = tpu.vector_load %arg9[%swap3A_45, %swap3A_46] {strides = array<i32>} : memref<8x128xi32, #tpu.memory_space<vmem>>, vector<1x16xi32>,
    %swap3A_48 = vector.shape_cast %swap3A_47 : vector<1x16xi32> to vector<16xi32>
    %swap3A_49 = vector.shape_cast %add3A_43 : vector<16xi32> to vector<1x16xi32>
    tpu.vector_store %arg9[%swap3A_45, %swap3A_46], %swap3A_49 {strides = array<i32>} : memref<8x128xi32, #tpu.memory_space<vmem>>, vector<1x16xi32>,
    %get3A_50 = arith.constant 0 : i32
    %get3A_51 = arith.index_cast %get3A_50 : i32 to index
    %get3A_52 = arith.constant 32 : index
    %get3A_53 = tpu.vector_load %arg9[%get3A_51, %get3A_52] {strides = array<i32>} : memref<8x128xi32, #tpu.memory_space<vmem>>, vector<1x16xi32>,
    %get3A_54 = vector.shape_cast %get3A_53 : vector<1x16xi32> to vector<16xi32>
    %add3A_55 = arith.addi %get3A_54, %mul3A_27 : vector<16xi32>
    %swap3A_56 = arith.constant 0 : i32
    %swap3A_57 = arith.index_cast %swap3A_56 : i32 to index
    %swap3A_58 = arith.constant 32 : index
    %swap3A_59 = tpu.vector_load %arg9[%swap3A_57, %swap3A_58] {strides = array<i32>} : memref<8x128xi32, #tpu.memory_space<vmem>>, vector<1x16xi32>,
    %swap3A_60 = vector.shape_cast %swap3A_59 : vector<1x16xi32> to vector<16xi32>
    %swap3A_61 = vector.shape_cast %add3A_55 : vector<16xi32> to vector<1x16xi32>
    tpu.vector_store %arg9[%swap3A_57, %swap3A_58], %swap3A_61 {strides = array<i32>} : memref<8x128xi32, #tpu.memory_space<vmem>>, vector<1x16xi32>,
    %get3A_62 = arith.constant 0 : i32
    %get3A_63 = arith.index_cast %get3A_62 : i32 to index
    %get3A_64 = arith.constant 48 : index
    %get3A_65 = tpu.vector_load %arg9[%get3A_63, %get3A_64] {strides = array<i32>} : memref<8x128xi32, #tpu.memory_space<vmem>>, vector<1x16xi32>,
    %get3A_66 = vector.shape_cast %get3A_65 : vector<1x16xi32> to vector<16xi32>
    %add3A_67 = arith.addi %get3A_66, %mul3A_27 : vector<16xi32>
    %swap3A_68 = arith.constant 0 : i32
    %swap3A_69 = arith.index_cast %swap3A_68 : i32 to index
    %swap3A_70 = arith.constant 48 : index
    %swap3A_71 = tpu.vector_load %arg9[%swap3A_69, %swap3A_70] {strides = array<i32>} : memref<8x128xi32, #tpu.memory_space<vmem>>, vector<1x16xi32>,
    %swap3A_72 = vector.shape_cast %swap3A_71 : vector<1x16xi32> to vector<16xi32>
    %swap3A_73 = vector.shape_cast %add3A_67 : vector<16xi32> to vector<1x16xi32>
    tpu.vector_store %arg9[%swap3A_69, %swap3A_70], %swap3A_73 {strides = array<i32>} : memref<8x128xi32, #tpu.memory_space<vmem>>, vector<1x16xi32>,
    %get3A_74 = arith.constant 0 : i32
    %get3A_75 = arith.index_cast %get3A_74 : i32 to index
    %get3A_76 = arith.constant 64 : index
    %get3A_77 = tpu.vector_load %arg9[%get3A_75, %get3A_76] {strides = array<i32>} : memref<8x128xi32, #tpu.memory_space<vmem>>, vector<1x16xi32>,
    %get3A_78 = vector.shape_cast %get3A_77 : vector<1x16xi32> to vector<16xi32>
    %add3A_79 = arith.addi %get3A_78, %mul3A_27 : vector<16xi32>
    %swap3A_80 = arith.constant 0 : i32
    %swap3A_81 = arith.index_cast %swap3A_80 : i32 to index
    %swap3A_82 = arith.constant 64 : index
    %swap3A_83 = tpu.vector_load %arg9[%swap3A_81, %swap3A_82] {strides = array<i32>} : memref<8x128xi32, #tpu.memory_space<vmem>>, vector<1x16xi32>,
    %swap3A_84 = vector.shape_cast %swap3A_83 : vector<1x16xi32> to vector<16xi32>
    %swap3A_85 = vector.shape_cast %add3A_79 : vector<16xi32> to vector<1x16xi32>
    tpu.vector_store %arg9[%swap3A_81, %swap3A_82], %swap3A_85 {strides = array<i32>} : memref<8x128xi32, #tpu.memory_space<vmem>>, vector<1x16xi32>,
    %get3A_86 = arith.constant 0 : i32
    %get3A_87 = arith.index_cast %get3A_86 : i32 to index
    %get3A_88 = arith.constant 80 : index
    %get3A_89 = tpu.vector_load %arg9[%get3A_87, %get3A_88] {strides = array<i32>} : memref<8x128xi32, #tpu.memory_space<vmem>>, vector<1x16xi32>,
    %get3A_90 = vector.shape_cast %get3A_89 : vector<1x16xi32> to vector<16xi32>
    %add3A_91 = arith.addi %get3A_90, %mul3A_27 : vector<16xi32>
    %swap3A_92 = arith.constant 0 : i32
    %swap3A_93 = arith.index_cast %swap3A_92 : i32 to index
    %swap3A_94 = arith.constant 80 : index
    %swap3A_95 = tpu.vector_load %arg9[%swap3A_93, %swap3A_94] {strides = array<i32>} : memref<8x128xi32, #tpu.memory_space<vmem>>, vector<1x16xi32>,
    %swap3A_96 = vector.shape_cast %swap3A_95 : vector<1x16xi32> to vector<16xi32>
    %swap3A_97 = vector.shape_cast %add3A_91 : vector<16xi32> to vector<1x16xi32>
    tpu.vector_store %arg9[%swap3A_93, %swap3A_94], %swap3A_97 {strides = array<i32>} : memref<8x128xi32, #tpu.memory_space<vmem>>, vector<1x16xi32>,
    %get3A_98 = arith.constant 0 : i32
    %get3A_99 = arith.index_cast %get3A_98 : i32 to index
    %get3A_100 = arith.constant 96 : index
    %get3A_101 = tpu.vector_load %arg9[%get3A_99, %get3A_100] {strides = array<i32>} : memref<8x128xi32, #tpu.memory_space<vmem>>, vector<1x16xi32>,
    %get3A_102 = vector.shape_cast %get3A_101 : vector<1x16xi32> to vector<16xi32>
    %add3A_103 = arith.addi %get3A_102, %mul3A_27 : vector<16xi32>
    %swap3A_104 = arith.constant 0 : i32
    %swap3A_105 = arith.index_cast %swap3A_104 : i32 to index
    %swap3A_106 = arith.constant 96 : index
    %swap3A_107 = tpu.vector_load %arg9[%swap3A_105, %swap3A_106] {strides = array<i32>} : memref<8x128xi32, #tpu.memory_space<vmem>>, vector<1x16xi32>,
    %swap3A_108 = vector.shape_cast %swap3A_107 : vector<1x16xi32> to vector<16xi32>
    %swap3A_109 = vector.shape_cast %add3A_103 : vector<16xi32> to vector<1x16xi32>
    tpu.vector_store %arg9[%swap3A_105, %swap3A_106], %swap3A_109 {strides = array<i32>} : memref<8x128xi32, #tpu.memory_space<vmem>>, vector<1x16xi32>,
    %get3A_110 = arith.constant 0 : i32
    %get3A_111 = arith.index_cast %get3A_110 : i32 to index
    %get3A_112 = arith.constant 112 : index
    %get3A_113 = tpu.vector_load %arg9[%get3A_111, %get3A_112] {strides = array<i32>} : memref<8x128xi32, #tpu.memory_space<vmem>>, vector<1x16xi32>,
    %get3A_114 = vector.shape_cast %get3A_113 : vector<1x16xi32> to vector<16xi32>
    %add3A_115 = arith.addi %get3A_114, %mul3A_27 : vector<16xi32>
    %swap3A_116 = arith.constant 0 : i32
    %swap3A_117 = arith.index_cast %swap3A_116 : i32 to index
    %swap3A_118 = arith.constant 112 : index
    %swap3A_119 = tpu.vector_load %arg9[%swap3A_117, %swap3A_118] {strides = array<i32>} : memref<8x128xi32, #tpu.memory_space<vmem>>, vector<1x16xi32>,
    %swap3A_120 = vector.shape_cast %swap3A_119 : vector<1x16xi32> to vector<16xi32>
    %swap3A_121 = vector.shape_cast %add3A_115 : vector<16xi32> to vector<1x16xi32>
    tpu.vector_store %arg9[%swap3A_117, %swap3A_118], %swap3A_121 {strides = array<i32>} : memref<8x128xi32, #tpu.memory_space<vmem>>, vector<1x16xi32>,
    %dma_start3A_122 = arith.constant 0 : i32
    %dma_start3A_123 = arith.constant 0 : i32
    %dma_start3A_124 = arith.constant 0 : i32
    %dma_start3A_125 = tpu.memref_slice %arg11[%dma_start3A_123, %dma_start3A_124] : memref<1024x16xf32, #tpu.memory_space<vmem>> -> memref<128x16xf32, #tpu.memory_space<vmem>>
    %dma_start3A_126 = arith.constant 0 : i32
    %dma_start3A_127 = tpu.memref_slice %arg9[%dma_start3A_122, %dma_start3A_126] : memref<8x128xi32, #tpu.memory_space<vmem>> -> memref<1x128xi32, #tpu.memory_space<vmem>>
    %dma_start3A_128 = tpu.memref_squeeze %dma_start3A_127 : memref<1x128xi32, #tpu.memory_space<vmem>> -> memref<128xi32, #tpu.memory_space<vmem>>
    %dma_start3A_129 = arith.constant 0 : i32
    %dma_start3A_130 = arith.constant 0 : i32
    %dma_start3A_131 = tpu.memref_slice %arg3[%dma_start3A_129, %dma_start3A_130] : memref<8000x16xf32, #tpu.memory_space<hbm>> -> memref<8000x16xf32, #tpu.memory_space<hbm>>
    tpu.enqueue_indirect_dma source(%dma_start3A_131 : memref<8000x16xf32, #tpu.memory_space<hbm>>) target(%dma_start3A_125 : memref<128x16xf32, #tpu.memory_space<vmem>>) offsets(%dma_start3A_128 : memref<128xi32, #tpu.memory_space<vmem>>) semaphore(%arg12 : memref<!tpu.dma_semaphore, #tpu.memory_space<semaphore_mem>>)
    %get3A_132 = arith.constant 1 : i32
    %get3A_133 = arith.index_cast %get3A_132 : i32 to index
    %get3A_134 = arith.constant 0 : index
    %get3A_135 = tpu.vector_load %arg9[%get3A_133, %get3A_134] {strides = array<i32>} : memref<8x128xi32, #tpu.memory_space<vmem>>, vector<1x16xi32>,
    %get3A_136 = vector.shape_cast %get3A_135 : vector<1x16xi32> to vector<16xi32>
    %add3A_137 = arith.addi %get3A_136, %mul3A_27 : vector<16xi32>
    %swap3A_138 = arith.constant 1 : i32
    %swap3A_139 = arith.index_cast %swap3A_138 : i32 to index
    %swap3A_140 = arith.constant 0 : index
    %swap3A_141 = tpu.vector_load %arg9[%swap3A_139, %swap3A_140] {strides = array<i32>} : memref<8x128xi32, #tpu.memory_space<vmem>>, vector<1x16xi32>,
    %swap3A_142 = vector.shape_cast %swap3A_141 : vector<1x16xi32> to vector<16xi32>
    %swap3A_143 = vector.shape_cast %add3A_137 : vector<16xi32> to vector<1x16xi32>
    tpu.vector_store %arg9[%swap3A_139, %swap3A_140], %swap3A_143 {strides = array<i32>} : memref<8x128xi32, #tpu.memory_space<vmem>>, vector<1x16xi32>,
    %get3A_144 = arith.constant 1 : i32
    %get3A_145 = arith.index_cast %get3A_144 : i32 to index
    %get3A_146 = arith.constant 16 : index
    %get3A_147 = tpu.vector_load %arg9[%get3A_145, %get3A_146] {strides = array<i32>} : memref<8x128xi32, #tpu.memory_space<vmem>>, vector<1x16xi32>,
    %get3A_148 = vector.shape_cast %get3A_147 : vector<1x16xi32> to vector<16xi32>
    %add3A_149 = arith.addi %get3A_148, %mul3A_27 : vector<16xi32>
    %swap3A_150 = arith.constant 1 : i32
    %swap3A_151 = arith.index_cast %swap3A_150 : i32 to index
    %swap3A_152 = arith.constant 16 : index
    %swap3A_153 = tpu.vector_load %arg9[%swap3A_151, %swap3A_152] {strides = array<i32>} : memref<8x128xi32, #tpu.memory_space<vmem>>, vector<1x16xi32>,
    %swap3A_154 = vector.shape_cast %swap3A_153 : vector<1x16xi32> to vector<16xi32>
    %swap3A_155 = vector.shape_cast %add3A_149 : vector<16xi32> to vector<1x16xi32>
    tpu.vector_store %arg9[%swap3A_151, %swap3A_152], %swap3A_155 {strides = array<i32>} : memref<8x128xi32, #tpu.memory_space<vmem>>, vector<1x16xi32>,
    %get3A_156 = arith.constant 1 : i32
    %get3A_157 = arith.index_cast %get3A_156 : i32 to index
    %get3A_158 = arith.constant 32 : index
    %get3A_159 = tpu.vector_load %arg9[%get3A_157, %get3A_158] {strides = array<i32>} : memref<8x128xi32, #tpu.memory_space<vmem>>, vector<1x16xi32>,
    %get3A_160 = vector.shape_cast %get3A_159 : vector<1x16xi32> to vector<16xi32>
    %add3A_161 = arith.addi %get3A_160, %mul3A_27 : vector<16xi32>
    %swap3A_162 = arith.constant 1 : i32
    %swap3A_163 = arith.index_cast %swap3A_162 : i32 to index
    %swap3A_164 = arith.constant 32 : index
    %swap3A_165 = tpu.vector_load %arg9[%swap3A_163, %swap3A_164] {strides = array<i32>} : memref<8x128xi32, #tpu.memory_space<vmem>>, vector<1x16xi32>,
    %swap3A_166 = vector.shape_cast %swap3A_165 : vector<1x16xi32> to vector<16xi32>
    %swap3A_167 = vector.shape_cast %add3A_161 : vector<16xi32> to vector<1x16xi32>
    tpu.vector_store %arg9[%swap3A_163, %swap3A_164], %swap3A_167 {strides = array<i32>} : memref<8x128xi32, #tpu.memory_space<vmem>>, vector<1x16xi32>,
    %get3A_168 = arith.constant 1 : i32
    %get3A_169 = arith.index_cast %get3A_168 : i32 to index
    %get3A_170 = arith.constant 48 : index
    %get3A_171 = tpu.vector_load %arg9[%get3A_169, %get3A_170] {strides = array<i32>} : memref<8x128xi32, #tpu.memory_space<vmem>>, vector<1x16xi32>,
    %get3A_172 = vector.shape_cast %get3A_171 : vector<1x16xi32> to vector<16xi32>
    %add3A_173 = arith.addi %get3A_172, %mul3A_27 : vector<16xi32>
    %swap3A_174 = arith.constant 1 : i32
    %swap3A_175 = arith.index_cast %swap3A_174 : i32 to index
    %swap3A_176 = arith.constant 48 : index
    %swap3A_177 = tpu.vector_load %arg9[%swap3A_175, %swap3A_176] {strides = array<i32>} : memref<8x128xi32, #tpu.memory_space<vmem>>, vector<1x16xi32>,
    %swap3A_178 = vector.shape_cast %swap3A_177 : vector<1x16xi32> to vector<16xi32>
    %swap3A_179 = vector.shape_cast %add3A_173 : vector<16xi32> to vector<1x16xi32>
    tpu.vector_store %arg9[%swap3A_175, %swap3A_176], %swap3A_179 {strides = array<i32>} : memref<8x128xi32, #tpu.memory_space<vmem>>, vector<1x16xi32>,
    %get3A_180 = arith.constant 1 : i32
    %get3A_181 = arith.index_cast %get3A_180 : i32 to index
    %get3A_182 = arith.constant 64 : index
    %get3A_183 = tpu.vector_load %arg9[%get3A_181, %get3A_182] {strides = array<i32>} : memref<8x128xi32, #tpu.memory_space<vmem>>, vector<1x16xi32>,
    %get3A_184 = vector.shape_cast %get3A_183 : vector<1x16xi32> to vector<16xi32>
    %add3A_185 = arith.addi %get3A_184, %mul3A_27 : vector<16xi32>
    %swap3A_186 = arith.constant 1 : i32
    %swap3A_187 = arith.index_cast %swap3A_186 : i32 to index
    %swap3A_188 = arith.constant 64 : index
    %swap3A_189 = tpu.vector_load %arg9[%swap3A_187, %swap3A_188] {strides = array<i32>} : memref<8x128xi32, #tpu.memory_space<vmem>>, vector<1x16xi32>,
    %swap3A_190 = vector.shape_cast %swap3A_189 : vector<1x16xi32> to vector<16xi32>
    %swap3A_191 = vector.shape_cast %add3A_185 : vector<16xi32> to vector<1x16xi32>
    tpu.vector_store %arg9[%swap3A_187, %swap3A_188], %swap3A_191 {strides = array<i32>} : memref<8x128xi32, #tpu.memory_space<vmem>>, vector<1x16xi32>,
    %get3A_192 = arith.constant 1 : i32
    %get3A_193 = arith.index_cast %get3A_192 : i32 to index
    %get3A_194 = arith.constant 80 : index
    %get3A_195 = tpu.vector_load %arg9[%get3A_193, %get3A_194] {strides = array<i32>} : memref<8x128xi32, #tpu.memory_space<vmem>>, vector<1x16xi32>,
    %get3A_196 = vector.shape_cast %get3A_195 : vector<1x16xi32> to vector<16xi32>
    %add3A_197 = arith.addi %get3A_196, %mul3A_27 : vector<16xi32>
    %swap3A_198 = arith.constant 1 : i32
    %swap3A_199 = arith.index_cast %swap3A_198 : i32 to index
    %swap3A_200 = arith.constant 80 : index
    %swap3A_201 = tpu.vector_load %arg9[%swap3A_199, %swap3A_200] {strides = array<i32>} : memref<8x128xi32, #tpu.memory_space<vmem>>, vector<1x16xi32>,
    %swap3A_202 = vector.shape_cast %swap3A_201 : vector<1x16xi32> to vector<16xi32>
    %swap3A_203 = vector.shape_cast %add3A_197 : vector<16xi32> to vector<1x16xi32>
    tpu.vector_store %arg9[%swap3A_199, %swap3A_200], %swap3A_203 {strides = array<i32>} : memref<8x128xi32, #tpu.memory_space<vmem>>, vector<1x16xi32>,
    %get3A_204 = arith.constant 1 : i32
    %get3A_205 = arith.index_cast %get3A_204 : i32 to index
    %get3A_206 = arith.constant 96 : index
    %get3A_207 = tpu.vector_load %arg9[%get3A_205, %get3A_206] {strides = array<i32>} : memref<8x128xi32, #tpu.memory_space<vmem>>, vector<1x16xi32>,
    %get3A_208 = vector.shape_cast %get3A_207 : vector<1x16xi32> to vector<16xi32>
    %add3A_209 = arith.addi %get3A_208, %mul3A_27 : vector<16xi32>
    %swap3A_210 = arith.constant 1 : i32
    %swap3A_211 = arith.index_cast %swap3A_210 : i32 to index
    %swap3A_212 = arith.constant 96 : index
    %swap3A_213 = tpu.vector_load %arg9[%swap3A_211, %swap3A_212] {strides = array<i32>} : memref<8x128xi32, #tpu.memory_space<vmem>>, vector<1x16xi32>,
    %swap3A_214 = vector.shape_cast %swap3A_213 : vector<1x16xi32> to vector<16xi32>
    %swap3A_215 = vector.shape_cast %add3A_209 : vector<16xi32> to vector<1x16xi32>
    tpu.vector_store %arg9[%swap3A_211, %swap3A_212], %swap3A_215 {strides = array<i32>} : memref<8x128xi32, #tpu.memory_space<vmem>>, vector<1x16xi32>,
    %get3A_216 = arith.constant 1 : i32
    %get3A_217 = arith.index_cast %get3A_216 : i32 to index
    %get3A_218 = arith.constant 112 : index
    %get3A_219 = tpu.vector_load %arg9[%get3A_217, %get3A_218] {strides = array<i32>} : memref<8x128xi32, #tpu.memory_space<vmem>>, vector<1x16xi32>,
    %get3A_220 = vector.shape_cast %get3A_219 : vector<1x16xi32> to vector<16xi32>
    %add3A_221 = arith.addi %get3A_220, %mul3A_27 : vector<16xi32>
    %swap3A_222 = arith.constant 1 : i32
    %swap3A_223 = arith.index_cast %swap3A_222 : i32 to index
    %swap3A_224 = arith.constant 112 : index
    %swap3A_225 = tpu.vector_load %arg9[%swap3A_223, %swap3A_224] {strides = array<i32>} : memref<8x128xi32, #tpu.memory_space<vmem>>, vector<1x16xi32>,
    %swap3A_226 = vector.shape_cast %swap3A_225 : vector<1x16xi32> to vector<16xi32>
    %swap3A_227 = vector.shape_cast %add3A_221 : vector<16xi32> to vector<1x16xi32>
    tpu.vector_store %arg9[%swap3A_223, %swap3A_224], %swap3A_227 {strides = array<i32>} : memref<8x128xi32, #tpu.memory_space<vmem>>, vector<1x16xi32>,
    %dma_start3A_228 = arith.constant 1 : i32
    %dma_start3A_229 = arith.constant 128 : i32
    %dma_start3A_230 = arith.constant 0 : i32
    %dma_start3A_231 = tpu.memref_slice %arg11[%dma_start3A_229, %dma_start3A_230] : memref<1024x16xf32, #tpu.memory_space<vmem>> -> memref<128x16xf32, #tpu.memory_space<vmem>>
    %dma_start3A_232 = arith.constant 0 : i32
    %dma_start3A_233 = tpu.memref_slice %arg9[%dma_start3A_228, %dma_start3A_232] : memref<8x128xi32, #tpu.memory_space<vmem>> -> memref<1x128xi32, #tpu.memory_space<vmem>>
    %dma_start3A_234 = tpu.memref_squeeze %dma_start3A_233 : memref<1x128xi32, #tpu.memory_space<vmem>> -> memref<128xi32, #tpu.memory_space<vmem>>
    %dma_start3A_235 = arith.constant 0 : i32
    %dma_start3A_236 = arith.constant 0 : i32
    %dma_start3A_237 = tpu.memref_slice %arg3[%dma_start3A_235, %dma_start3A_236] : memref<8000x16xf32, #tpu.memory_space<hbm>> -> memref<8000x16xf32, #tpu.memory_space<hbm>>
    tpu.enqueue_indirect_dma source(%dma_start3A_237 : memref<8000x16xf32, #tpu.memory_space<hbm>>) target(%dma_start3A_231 : memref<128x16xf32, #tpu.memory_space<vmem>>) offsets(%dma_start3A_234 : memref<128xi32, #tpu.memory_space<vmem>>) semaphore(%arg12 : memref<!tpu.dma_semaphore, #tpu.memory_space<semaphore_mem>>)
    %get3A_238 = arith.constant 2 : i32
    %get3A_239 = arith.index_cast %get3A_238 : i32 to index
    %get3A_240 = arith.constant 0 : index
    %get3A_241 = tpu.vector_load %arg9[%get3A_239, %get3A_240] {strides = array<i32>} : memref<8x128xi32, #tpu.memory_space<vmem>>, vector<1x16xi32>,
    %get3A_242 = vector.shape_cast %get3A_241 : vector<1x16xi32> to vector<16xi32>
    %add3A_243 = arith.addi %get3A_242, %mul3A_27 : vector<16xi32>
    %swap3A_244 = arith.constant 2 : i32
    %swap3A_245 = arith.index_cast %swap3A_244 : i32 to index
    %swap3A_246 = arith.constant 0 : index
    %swap3A_247 = tpu.vector_load %arg9[%swap3A_245, %swap3A_246] {strides = array<i32>} : memref<8x128xi32, #tpu.memory_space<vmem>>, vector<1x16xi32>,
    %swap3A_248 = vector.shape_cast %swap3A_247 : vector<1x16xi32> to vector<16xi32>
    %swap3A_249 = vector.shape_cast %add3A_243 : vector<16xi32> to vector<1x16xi32>
    tpu.vector_store %arg9[%swap3A_245, %swap3A_246], %swap3A_249 {strides = array<i32>} : memref<8x128xi32, #tpu.memory_space<vmem>>, vector<1x16xi32>,
    %get3A_250 = arith.constant 2 : i32
    %get3A_251 = arith.index_cast %get3A_250 : i32 to index
    %get3A_252 = arith.constant 16 : index
    %get3A_253 = tpu.vector_load %arg9[%get3A_251, %get3A_252] {strides = array<i32>} : memref<8x128xi32, #tpu.memory_space<vmem>>, vector<1x16xi32>,
    %get3A_254 = vector.shape_cast %get3A_253 : vector<1x16xi32> to vector<16xi32>
    %add3A_255 = arith.addi %get3A_254, %mul3A_27 : vector<16xi32>
    %swap3A_256 = arith.constant 2 : i32
    %swap3A_257 = arith.index_cast %swap3A_256 : i32 to index
    %swap3A_258 = arith.constant 16 : index
    %swap3A_259 = tpu.vector_load %arg9[%swap3A_257, %swap3A_258] {strides = array<i32>} : memref<8x128xi32, #tpu.memory_space<vmem>>, vector<1x16xi32>,
    %swap3A_260 = vector.shape_cast %swap3A_259 : vector<1x16xi32> to vector<16xi32>
    %swap3A_261 = vector.shape_cast %add3A_255 : vector<16xi32> to vector<1x16xi32>
    tpu.vector_store %arg9[%swap3A_257, %swap3A_258], %swap3A_261 {strides = array<i32>} : memref<8x128xi32, #tpu.memory_space<vmem>>, vector<1x16xi32>,
    %get3A_262 = arith.constant 2 : i32
    %get3A_263 = arith.index_cast %get3A_262 : i32 to index
    %get3A_264 = arith.constant 32 : index
    %get3A_265 = tpu.vector_load %arg9[%get3A_263, %get3A_264] {strides = array<i32>} : memref<8x128xi32, #tpu.memory_space<vmem>>, vector<1x16xi32>,
    %get3A_266 = vector.shape_cast %get3A_265 : vector<1x16xi32> to vector<16xi32>
    %add3A_267 = arith.addi %get3A_266, %mul3A_27 : vector<16xi32>
    %swap3A_268 = arith.constant 2 : i32
    %swap3A_269 = arith.index_cast %swap3A_268 : i32 to index
    %swap3A_270 = arith.constant 32 : index
    %swap3A_271 = tpu.vector_load %arg9[%swap3A_269, %swap3A_270] {strides = array<i32>} : memref<8x128xi32, #tpu.memory_space<vmem>>, vector<1x16xi32>,
    %swap3A_272 = vector.shape_cast %swap3A_271 : vector<1x16xi32> to vector<16xi32>
    %swap3A_273 = vector.shape_cast %add3A_267 : vector<16xi32> to vector<1x16xi32>
    tpu.vector_store %arg9[%swap3A_269, %swap3A_270], %swap3A_273 {strides = array<i32>} : memref<8x128xi32, #tpu.memory_space<vmem>>, vector<1x16xi32>,
    %get3A_274 = arith.constant 2 : i32
    %get3A_275 = arith.index_cast %get3A_274 : i32 to index
    %get3A_276 = arith.constant 48 : index
    %get3A_277 = tpu.vector_load %arg9[%get3A_275, %get3A_276] {strides = array<i32>} : memref<8x128xi32, #tpu.memory_space<vmem>>, vector<1x16xi32>,
    %get3A_278 = vector.shape_cast %get3A_277 : vector<1x16xi32> to vector<16xi32>
    %add3A_279 = arith.addi %get3A_278, %mul3A_27 : vector<16xi32>
    %swap3A_280 = arith.constant 2 : i32
    %swap3A_281 = arith.index_cast %swap3A_280 : i32 to index
    %swap3A_282 = arith.constant 48 : index
    %swap3A_283 = tpu.vector_load %arg9[%swap3A_281, %swap3A_282] {strides = array<i32>} : memref<8x128xi32, #tpu.memory_space<vmem>>, vector<1x16xi32>,
    %swap3A_284 = vector.shape_cast %swap3A_283 : vector<1x16xi32> to vector<16xi32>
    %swap3A_285 = vector.shape_cast %add3A_279 : vector<16xi32> to vector<1x16xi32>
    tpu.vector_store %arg9[%swap3A_281, %swap3A_282], %swap3A_285 {strides = array<i32>} : memref<8x128xi32, #tpu.memory_space<vmem>>, vector<1x16xi32>,
    %get3A_286 = arith.constant 2 : i32
    %get3A_287 = arith.index_cast %get3A_286 : i32 to index
    %get3A_288 = arith.constant 64 : index
    %get3A_289 = tpu.vector_load %arg9[%get3A_287, %get3A_288] {strides = array<i32>} : memref<8x128xi32, #tpu.memory_space<vmem>>, vector<1x16xi32>,
    %get3A_290 = vector.shape_cast %get3A_289 : vector<1x16xi32> to vector<16xi32>
    %add3A_291 = arith.addi %get3A_290, %mul3A_27 : vector<16xi32>
    %swap3A_292 = arith.constant 2 : i32
    %swap3A_293 = arith.index_cast %swap3A_292 : i32 to index
    %swap3A_294 = arith.constant 64 : index
    %swap3A_295 = tpu.vector_load %arg9[%swap3A_293, %swap3A_294] {strides = array<i32>} : memref<8x128xi32, #tpu.memory_space<vmem>>, vector<1x16xi32>,
    %swap3A_296 = vector.shape_cast %swap3A_295 : vector<1x16xi32> to vector<16xi32>
    %swap3A_297 = vector.shape_cast %add3A_291 : vector<16xi32> to vector<1x16xi32>
    tpu.vector_store %arg9[%swap3A_293, %swap3A_294], %swap3A_297 {strides = array<i32>} : memref<8x128xi32, #tpu.memory_space<vmem>>, vector<1x16xi32>,
    %get3A_298 = arith.constant 2 : i32
    %get3A_299 = arith.index_cast %get3A_298 : i32 to index
    %get3A_300 = arith.constant 80 : index
    %get3A_301 = tpu.vector_load %arg9[%get3A_299, %get3A_300] {strides = array<i32>} : memref<8x128xi32, #tpu.memory_space<vmem>>, vector<1x16xi32>,
    %get3A_302 = vector.shape_cast %get3A_301 : vector<1x16xi32> to vector<16xi32>
    %add3A_303 = arith.addi %get3A_302, %mul3A_27 : vector<16xi32>
    %swap3A_304 = arith.constant 2 : i32
    %swap3A_305 = arith.index_cast %swap3A_304 : i32 to index
    %swap3A_306 = arith.constant 80 : index
    %swap3A_307 = tpu.vector_load %arg9[%swap3A_305, %swap3A_306] {strides = array<i32>} : memref<8x128xi32, #tpu.memory_space<vmem>>, vector<1x16xi32>,
    %swap3A_308 = vector.shape_cast %swap3A_307 : vector<1x16xi32> to vector<16xi32>
    %swap3A_309 = vector.shape_cast %add3A_303 : vector<16xi32> to vector<1x16xi32>
    tpu.vector_store %arg9[%swap3A_305, %swap3A_306], %swap3A_309 {strides = array<i32>} : memref<8x128xi32, #tpu.memory_space<vmem>>, vector<1x16xi32>,
    %get3A_310 = arith.constant 2 : i32
    %get3A_311 = arith.index_cast %get3A_310 : i32 to index
    %get3A_312 = arith.constant 96 : index
    %get3A_313 = tpu.vector_load %arg9[%get3A_311, %get3A_312] {strides = array<i32>} : memref<8x128xi32, #tpu.memory_space<vmem>>, vector<1x16xi32>,
    %get3A_314 = vector.shape_cast %get3A_313 : vector<1x16xi32> to vector<16xi32>
    %add3A_315 = arith.addi %get3A_314, %mul3A_27 : vector<16xi32>
    %swap3A_316 = arith.constant 2 : i32
    %swap3A_317 = arith.index_cast %swap3A_316 : i32 to index
    %swap3A_318 = arith.constant 96 : index
    %swap3A_319 = tpu.vector_load %arg9[%swap3A_317, %swap3A_318] {strides = array<i32>} : memref<8x128xi32, #tpu.memory_space<vmem>>, vector<1x16xi32>,
    %swap3A_320 = vector.shape_cast %swap3A_319 : vector<1x16xi32> to vector<16xi32>
    %swap3A_321 = vector.shape_cast %add3A_315 : vector<16xi32> to vector<1x16xi32>
    tpu.vector_store %arg9[%swap3A_317, %swap3A_318], %swap3A_321 {strides = array<i32>} : memref<8x128xi32, #tpu.memory_space<vmem>>, vector<1x16xi32>,
    %get3A_322 = arith.constant 2 : i32
    %get3A_323 = arith.index_cast %get3A_322 : i32 to index
    %get3A_324 = arith.constant 112 : index
    %get3A_325 = tpu.vector_load %arg9[%get3A_323, %get3A_324] {strides = array<i32>} : memref<8x128xi32, #tpu.memory_space<vmem>>, vector<1x16xi32>,
    %get3A_326 = vector.shape_cast %get3A_325 : vector<1x16xi32> to vector<16xi32>
    %add3A_327 = arith.addi %get3A_326, %mul3A_27 : vector<16xi32>
    %swap3A_328 = arith.constant 2 : i32
    %swap3A_329 = arith.index_cast %swap3A_328 : i32 to index
    %swap3A_330 = arith.constant 112 : index
    %swap3A_331 = tpu.vector_load %arg9[%swap3A_329, %swap3A_330] {strides = array<i32>} : memref<8x128xi32, #tpu.memory_space<vmem>>, vector<1x16xi32>,
    %swap3A_332 = vector.shape_cast %swap3A_331 : vector<1x16xi32> to vector<16xi32>
    %swap3A_333 = vector.shape_cast %add3A_327 : vector<16xi32> to vector<1x16xi32>
    tpu.vector_store %arg9[%swap3A_329, %swap3A_330], %swap3A_333 {strides = array<i32>} : memref<8x128xi32, #tpu.memory_space<vmem>>, vector<1x16xi32>,
    %dma_start3A_334 = arith.constant 2 : i32
    %dma_start3A_335 = arith.constant 256 : i32
    %dma_start3A_336 = arith.constant 0 : i32
    %dma_start3A_337 = tpu.memref_slice %arg11[%dma_start3A_335, %dma_start3A_336] : memref<1024x16xf32, #tpu.memory_space<vmem>> -> memref<128x16xf32, #tpu.memory_space<vmem>>
    %dma_start3A_338 = arith.constant 0 : i32
    %dma_start3A_339 = tpu.memref_slice %arg9[%dma_start3A_334, %dma_start3A_338] : memref<8x128xi32, #tpu.memory_space<vmem>> -> memref<1x128xi32, #tpu.memory_space<vmem>>
    %dma_start3A_340 = tpu.memref_squeeze %dma_start3A_339 : memref<1x128xi32, #tpu.memory_space<vmem>> -> memref<128xi32, #tpu.memory_space<vmem>>
    %dma_start3A_341 = arith.constant 0 : i32
    %dma_start3A_342 = arith.constant 0 : i32
    %dma_start3A_343 = tpu.memref_slice %arg3[%dma_start3A_341, %dma_start3A_342] : memref<8000x16xf32, #tpu.memory_space<hbm>> -> memref<8000x16xf32, #tpu.memory_space<hbm>>
    tpu.enqueue_indirect_dma source(%dma_start3A_343 : memref<8000x16xf32, #tpu.memory_space<hbm>>) target(%dma_start3A_337 : memref<128x16xf32, #tpu.memory_space<vmem>>) offsets(%dma_start3A_340 : memref<128xi32, #tpu.memory_space<vmem>>) semaphore(%arg12 : memref<!tpu.dma_semaphore, #tpu.memory_space<semaphore_mem>>)
    %get3A_344 = arith.constant 3 : i32
    %get3A_345 = arith.index_cast %get3A_344 : i32 to index
    %get3A_346 = arith.constant 0 : index
    %get3A_347 = tpu.vector_load %arg9[%get3A_345, %get3A_346] {strides = array<i32>} : memref<8x128xi32, #tpu.memory_space<vmem>>, vector<1x16xi32>,
    %get3A_348 = vector.shape_cast %get3A_347 : vector<1x16xi32> to vector<16xi32>
    %add3A_349 = arith.addi %get3A_348, %mul3A_27 : vector<16xi32>
    %swap3A_350 = arith.constant 3 : i32
    %swap3A_351 = arith.index_cast %swap3A_350 : i32 to index
    %swap3A_352 = arith.constant 0 : index
    %swap3A_353 = tpu.vector_load %arg9[%swap3A_351, %swap3A_352] {strides = array<i32>} : memref<8x128xi32, #tpu.memory_space<vmem>>, vector<1x16xi32>,
    %swap3A_354 = vector.shape_cast %swap3A_353 : vector<1x16xi32> to vector<16xi32>
    %swap3A_355 = vector.shape_cast %add3A_349 : vector<16xi32> to vector<1x16xi32>
    tpu.vector_store %arg9[%swap3A_351, %swap3A_352], %swap3A_355 {strides = array<i32>} : memref<8x128xi32, #tpu.memory_space<vmem>>, vector<1x16xi32>,
    %get3A_356 = arith.constant 3 : i32
    %get3A_357 = arith.index_cast %get3A_356 : i32 to index
    %get3A_358 = arith.constant 16 : index
    %get3A_359 = tpu.vector_load %arg9[%get3A_357, %get3A_358] {strides = array<i32>} : memref<8x128xi32, #tpu.memory_space<vmem>>, vector<1x16xi32>,
    %get3A_360 = vector.shape_cast %get3A_359 : vector<1x16xi32> to vector<16xi32>
    %add3A_361 = arith.addi %get3A_360, %mul3A_27 : vector<16xi32>
    %swap3A_362 = arith.constant 3 : i32
    %swap3A_363 = arith.index_cast %swap3A_362 : i32 to index
    %swap3A_364 = arith.constant 16 : index
    %swap3A_365 = tpu.vector_load %arg9[%swap3A_363, %swap3A_364] {strides = array<i32>} : memref<8x128xi32, #tpu.memory_space<vmem>>, vector<1x16xi32>,
    %swap3A_366 = vector.shape_cast %swap3A_365 : vector<1x16xi32> to vector<16xi32>
    %swap3A_367 = vector.shape_cast %add3A_361 : vector<16xi32> to vector<1x16xi32>
    tpu.vector_store %arg9[%swap3A_363, %swap3A_364], %swap3A_367 {strides = array<i32>} : memref<8x128xi32, #tpu.memory_space<vmem>>, vector<1x16xi32>,
    %get3A_368 = arith.constant 3 : i32
    %get3A_369 = arith.index_cast %get3A_368 : i32 to index
    %get3A_370 = arith.constant 32 : index
    %get3A_371 = tpu.vector_load %arg9[%get3A_369, %get3A_370] {strides = array<i32>} : memref<8x128xi32, #tpu.memory_space<vmem>>, vector<1x16xi32>,
    %get3A_372 = vector.shape_cast %get3A_371 : vector<1x16xi32> to vector<16xi32>
    %add3A_373 = arith.addi %get3A_372, %mul3A_27 : vector<16xi32>
    %swap3A_374 = arith.constant 3 : i32
    %swap3A_375 = arith.index_cast %swap3A_374 : i32 to index
    %swap3A_376 = arith.constant 32 : index
    %swap3A_377 = tpu.vector_load %arg9[%swap3A_375, %swap3A_376] {strides = array<i32>} : memref<8x128xi32, #tpu.memory_space<vmem>>, vector<1x16xi32>,
    %swap3A_378 = vector.shape_cast %swap3A_377 : vector<1x16xi32> to vector<16xi32>
    %swap3A_379 = vector.shape_cast %add3A_373 : vector<16xi32> to vector<1x16xi32>
    tpu.vector_store %arg9[%swap3A_375, %swap3A_376], %swap3A_379 {strides = array<i32>} : memref<8x128xi32, #tpu.memory_space<vmem>>, vector<1x16xi32>,
    %get3A_380 = arith.constant 3 : i32
    %get3A_381 = arith.index_cast %get3A_380 : i32 to index
    %get3A_382 = arith.constant 48 : index
    %get3A_383 = tpu.vector_load %arg9[%get3A_381, %get3A_382] {strides = array<i32>} : memref<8x128xi32, #tpu.memory_space<vmem>>, vector<1x16xi32>,
    %get3A_384 = vector.shape_cast %get3A_383 : vector<1x16xi32> to vector<16xi32>
    %add3A_385 = arith.addi %get3A_384, %mul3A_27 : vector<16xi32>
    %swap3A_386 = arith.constant 3 : i32
    %swap3A_387 = arith.index_cast %swap3A_386 : i32 to index
    %swap3A_388 = arith.constant 48 : index
    %swap3A_389 = tpu.vector_load %arg9[%swap3A_387, %swap3A_388] {strides = array<i32>} : memref<8x128xi32, #tpu.memory_space<vmem>>, vector<1x16xi32>,
    %swap3A_390 = vector.shape_cast %swap3A_389 : vector<1x16xi32> to vector<16xi32>
    %swap3A_391 = vector.shape_cast %add3A_385 : vector<16xi32> to vector<1x16xi32>
    tpu.vector_store %arg9[%swap3A_387, %swap3A_388], %swap3A_391 {strides = array<i32>} : memref<8x128xi32, #tpu.memory_space<vmem>>, vector<1x16xi32>,
    %get3A_392 = arith.constant 3 : i32
    %get3A_393 = arith.index_cast %get3A_392 : i32 to index
    %get3A_394 = arith.constant 64 : index
    %get3A_395 = tpu.vector_load %arg9[%get3A_393, %get3A_394] {strides = array<i32>} : memref<8x128xi32, #tpu.memory_space<vmem>>, vector<1x16xi32>,
    %get3A_396 = vector.shape_cast %get3A_395 : vector<1x16xi32> to vector<16xi32>
    %add3A_397 = arith.addi %get3A_396, %mul3A_27 : vector<16xi32>
    %swap3A_398 = arith.constant 3 : i32
    %swap3A_399 = arith.index_cast %swap3A_398 : i32 to index
    %swap3A_400 = arith.constant 64 : index
    %swap3A_401 = tpu.vector_load %arg9[%swap3A_399, %swap3A_400] {strides = array<i32>} : memref<8x128xi32, #tpu.memory_space<vmem>>, vector<1x16xi32>,
    %swap3A_402 = vector.shape_cast %swap3A_401 : vector<1x16xi32> to vector<16xi32>
    %swap3A_403 = vector.shape_cast %add3A_397 : vector<16xi32> to vector<1x16xi32>
    tpu.vector_store %arg9[%swap3A_399, %swap3A_400], %swap3A_403 {strides = array<i32>} : memref<8x128xi32, #tpu.memory_space<vmem>>, vector<1x16xi32>,
    %get3A_404 = arith.constant 3 : i32
    %get3A_405 = arith.index_cast %get3A_404 : i32 to index
    %get3A_406 = arith.constant 80 : index
    %get3A_407 = tpu.vector_load %arg9[%get3A_405, %get3A_406] {strides = array<i32>} : memref<8x128xi32, #tpu.memory_space<vmem>>, vector<1x16xi32>,
    %get3A_408 = vector.shape_cast %get3A_407 : vector<1x16xi32> to vector<16xi32>
    %add3A_409 = arith.addi %get3A_408, %mul3A_27 : vector<16xi32>
    %swap3A_410 = arith.constant 3 : i32
    %swap3A_411 = arith.index_cast %swap3A_410 : i32 to index
    %swap3A_412 = arith.constant 80 : index
    %swap3A_413 = tpu.vector_load %arg9[%swap3A_411, %swap3A_412] {strides = array<i32>} : memref<8x128xi32, #tpu.memory_space<vmem>>, vector<1x16xi32>,
    %swap3A_414 = vector.shape_cast %swap3A_413 : vector<1x16xi32> to vector<16xi32>
    %swap3A_415 = vector.shape_cast %add3A_409 : vector<16xi32> to vector<1x16xi32>
    tpu.vector_store %arg9[%swap3A_411, %swap3A_412], %swap3A_415 {strides = array<i32>} : memref<8x128xi32, #tpu.memory_space<vmem>>, vector<1x16xi32>,
    %get3A_416 = arith.constant 3 : i32
    %get3A_417 = arith.index_cast %get3A_416 : i32 to index
    %get3A_418 = arith.constant 96 : index
    %get3A_419 = tpu.vector_load %arg9[%get3A_417, %get3A_418] {strides = array<i32>} : memref<8x128xi32, #tpu.memory_space<vmem>>, vector<1x16xi32>,
    %get3A_420 = vector.shape_cast %get3A_419 : vector<1x16xi32> to vector<16xi32>
    %add3A_421 = arith.addi %get3A_420, %mul3A_27 : vector<16xi32>
    %swap3A_422 = arith.constant 3 : i32
    %swap3A_423 = arith.index_cast %swap3A_422 : i32 to index
    %swap3A_424 = arith.constant 96 : index
    %swap3A_425 = tpu.vector_load %arg9[%swap3A_423, %swap3A_424] {strides = array<i32>} : memref<8x128xi32, #tpu.memory_space<vmem>>, vector<1x16xi32>,
    %swap3A_426 = vector.shape_cast %swap3A_425 : vector<1x16xi32> to vector<16xi32>
    %swap3A_427 = vector.shape_cast %add3A_421 : vector<16xi32> to vector<1x16xi32>
    tpu.vector_store %arg9[%swap3A_423, %swap3A_424], %swap3A_427 {strides = array<i32>} : memref<8x128xi32, #tpu.memory_space<vmem>>, vector<1x16xi32>,
    %get3A_428 = arith.constant 3 : i32
    %get3A_429 = arith.index_cast %get3A_428 : i32 to index
    %get3A_430 = arith.constant 112 : index
    %get3A_431 = tpu.vector_load %arg9[%get3A_429, %get3A_430] {strides = array<i32>} : memref<8x128xi32, #tpu.memory_space<vmem>>, vector<1x16xi32>,
    %get3A_432 = vector.shape_cast %get3A_431 : vector<1x16xi32> to vector<16xi32>
    %add3A_433 = arith.addi %get3A_432, %mul3A_27 : vector<16xi32>
    %swap3A_434 = arith.constant 3 : i32
    %swap3A_435 = arith.index_cast %swap3A_434 : i32 to index
    %swap3A_436 = arith.constant 112 : index
    %swap3A_437 = tpu.vector_load %arg9[%swap3A_435, %swap3A_436] {strides = array<i32>} : memref<8x128xi32, #tpu.memory_space<vmem>>, vector<1x16xi32>,
    %swap3A_438 = vector.shape_cast %swap3A_437 : vector<1x16xi32> to vector<16xi32>
    %swap3A_439 = vector.shape_cast %add3A_433 : vector<16xi32> to vector<1x16xi32>
    tpu.vector_store %arg9[%swap3A_435, %swap3A_436], %swap3A_439 {strides = array<i32>} : memref<8x128xi32, #tpu.memory_space<vmem>>, vector<1x16xi32>,
    %dma_start3A_440 = arith.constant 3 : i32
    %dma_start3A_441 = arith.constant 384 : i32
    %dma_start3A_442 = arith.constant 0 : i32
    %dma_start3A_443 = tpu.memref_slice %arg11[%dma_start3A_441, %dma_start3A_442] : memref<1024x16xf32, #tpu.memory_space<vmem>> -> memref<128x16xf32, #tpu.memory_space<vmem>>
    %dma_start3A_444 = arith.constant 0 : i32
    %dma_start3A_445 = tpu.memref_slice %arg9[%dma_start3A_440, %dma_start3A_444] : memref<8x128xi32, #tpu.memory_space<vmem>> -> memref<1x128xi32, #tpu.memory_space<vmem>>
    %dma_start3A_446 = tpu.memref_squeeze %dma_start3A_445 : memref<1x128xi32, #tpu.memory_space<vmem>> -> memref<128xi32, #tpu.memory_space<vmem>>
    %dma_start3A_447 = arith.constant 0 : i32
    %dma_start3A_448 = arith.constant 0 : i32
    %dma_start3A_449 = tpu.memref_slice %arg3[%dma_start3A_447, %dma_start3A_448] : memref<8000x16xf32, #tpu.memory_space<hbm>> -> memref<8000x16xf32, #tpu.memory_space<hbm>>
    tpu.enqueue_indirect_dma source(%dma_start3A_449 : memref<8000x16xf32, #tpu.memory_space<hbm>>) target(%dma_start3A_443 : memref<128x16xf32, #tpu.memory_space<vmem>>) offsets(%dma_start3A_446 : memref<128xi32, #tpu.memory_space<vmem>>) semaphore(%arg12 : memref<!tpu.dma_semaphore, #tpu.memory_space<semaphore_mem>>)
    %get3A_450 = arith.constant 4 : i32
    %get3A_451 = arith.index_cast %get3A_450 : i32 to index
    %get3A_452 = arith.constant 0 : index
    %get3A_453 = tpu.vector_load %arg9[%get3A_451, %get3A_452] {strides = array<i32>} : memref<8x128xi32, #tpu.memory_space<vmem>>, vector<1x16xi32>,
    %get3A_454 = vector.shape_cast %get3A_453 : vector<1x16xi32> to vector<16xi32>
    %add3A_455 = arith.addi %get3A_454, %mul3A_27 : vector<16xi32>
    %swap3A_456 = arith.constant 4 : i32
    %swap3A_457 = arith.index_cast %swap3A_456 : i32 to index
    %swap3A_458 = arith.constant 0 : index
    %swap3A_459 = tpu.vector_load %arg9[%swap3A_457, %swap3A_458] {strides = array<i32>} : memref<8x128xi32, #tpu.memory_space<vmem>>, vector<1x16xi32>,
    %swap3A_460 = vector.shape_cast %swap3A_459 : vector<1x16xi32> to vector<16xi32>
    %swap3A_461 = vector.shape_cast %add3A_455 : vector<16xi32> to vector<1x16xi32>
    tpu.vector_store %arg9[%swap3A_457, %swap3A_458], %swap3A_461 {strides = array<i32>} : memref<8x128xi32, #tpu.memory_space<vmem>>, vector<1x16xi32>,
    %get3A_462 = arith.constant 4 : i32
    %get3A_463 = arith.index_cast %get3A_462 : i32 to index
    %get3A_464 = arith.constant 16 : index
    %get3A_465 = tpu.vector_load %arg9[%get3A_463, %get3A_464] {strides = array<i32>} : memref<8x128xi32, #tpu.memory_space<vmem>>, vector<1x16xi32>,
    %get3A_466 = vector.shape_cast %get3A_465 : vector<1x16xi32> to vector<16xi32>
    %add3A_467 = arith.addi %get3A_466, %mul3A_27 : vector<16xi32>
    %swap3A_468 = arith.constant 4 : i32
    %swap3A_469 = arith.index_cast %swap3A_468 : i32 to index
    %swap3A_470 = arith.constant 16 : index
    %swap3A_471 = tpu.vector_load %arg9[%swap3A_469, %swap3A_470] {strides = array<i32>} : memref<8x128xi32, #tpu.memory_space<vmem>>, vector<1x16xi32>,
    %swap3A_472 = vector.shape_cast %swap3A_471 : vector<1x16xi32> to vector<16xi32>
    %swap3A_473 = vector.shape_cast %add3A_467 : vector<16xi32> to vector<1x16xi32>
    tpu.vector_store %arg9[%swap3A_469, %swap3A_470], %swap3A_473 {strides = array<i32>} : memref<8x128xi32, #tpu.memory_space<vmem>>, vector<1x16xi32>,
    %get3A_474 = arith.constant 4 : i32
    %get3A_475 = arith.index_cast %get3A_474 : i32 to index
    %get3A_476 = arith.constant 32 : index
    %get3A_477 = tpu.vector_load %arg9[%get3A_475, %get3A_476] {strides = array<i32>} : memref<8x128xi32, #tpu.memory_space<vmem>>, vector<1x16xi32>,
    %get3A_478 = vector.shape_cast %get3A_477 : vector<1x16xi32> to vector<16xi32>
    %add3A_479 = arith.addi %get3A_478, %mul3A_27 : vector<16xi32>
    %swap3A_480 = arith.constant 4 : i32
    %swap3A_481 = arith.index_cast %swap3A_480 : i32 to index
    %swap3A_482 = arith.constant 32 : index
    %swap3A_483 = tpu.vector_load %arg9[%swap3A_481, %swap3A_482] {strides = array<i32>} : memref<8x128xi32, #tpu.memory_space<vmem>>, vector<1x16xi32>,
    %swap3A_484 = vector.shape_cast %swap3A_483 : vector<1x16xi32> to vector<16xi32>
    %swap3A_485 = vector.shape_cast %add3A_479 : vector<16xi32> to vector<1x16xi32>
    tpu.vector_store %arg9[%swap3A_481, %swap3A_482], %swap3A_485 {strides = array<i32>} : memref<8x128xi32, #tpu.memory_space<vmem>>, vector<1x16xi32>,
    %get3A_486 = arith.constant 4 : i32
    %get3A_487 = arith.index_cast %get3A_486 : i32 to index
    %get3A_488 = arith.constant 48 : index
    %get3A_489 = tpu.vector_load %arg9[%get3A_487, %get3A_488] {strides = array<i32>} : memref<8x128xi32, #tpu.memory_space<vmem>>, vector<1x16xi32>,
    %get3A_490 = vector.shape_cast %get3A_489 : vector<1x16xi32> to vector<16xi32>
    %add3A_491 = arith.addi %get3A_490, %mul3A_27 : vector<16xi32>
    %swap3A_492 = arith.constant 4 : i32
    %swap3A_493 = arith.index_cast %swap3A_492 : i32 to index
    %swap3A_494 = arith.constant 48 : index
    %swap3A_495 = tpu.vector_load %arg9[%swap3A_493, %swap3A_494] {strides = array<i32>} : memref<8x128xi32, #tpu.memory_space<vmem>>, vector<1x16xi32>,
    %swap3A_496 = vector.shape_cast %swap3A_495 : vector<1x16xi32> to vector<16xi32>
    %swap3A_497 = vector.shape_cast %add3A_491 : vector<16xi32> to vector<1x16xi32>
    tpu.vector_store %arg9[%swap3A_493, %swap3A_494], %swap3A_497 {strides = array<i32>} : memref<8x128xi32, #tpu.memory_space<vmem>>, vector<1x16xi32>,
    %get3A_498 = arith.constant 4 : i32
    %get3A_499 = arith.index_cast %get3A_498 : i32 to index
    %get3A_500 = arith.constant 64 : index
    %get3A_501 = tpu.vector_load %arg9[%get3A_499, %get3A_500] {strides = array<i32>} : memref<8x128xi32, #tpu.memory_space<vmem>>, vector<1x16xi32>,
    %get3A_502 = vector.shape_cast %get3A_501 : vector<1x16xi32> to vector<16xi32>
    %add3A_503 = arith.addi %get3A_502, %mul3A_27 : vector<16xi32>
    %swap3A_504 = arith.constant 4 : i32
    %swap3A_505 = arith.index_cast %swap3A_504 : i32 to index
    %swap3A_506 = arith.constant 64 : index
    %swap3A_507 = tpu.vector_load %arg9[%swap3A_505, %swap3A_506] {strides = array<i32>} : memref<8x128xi32, #tpu.memory_space<vmem>>, vector<1x16xi32>,
    %swap3A_508 = vector.shape_cast %swap3A_507 : vector<1x16xi32> to vector<16xi32>
    %swap3A_509 = vector.shape_cast %add3A_503 : vector<16xi32> to vector<1x16xi32>
    tpu.vector_store %arg9[%swap3A_505, %swap3A_506], %swap3A_509 {strides = array<i32>} : memref<8x128xi32, #tpu.memory_space<vmem>>, vector<1x16xi32>,
    %get3A_510 = arith.constant 4 : i32
    %get3A_511 = arith.index_cast %get3A_510 : i32 to index
    %get3A_512 = arith.constant 80 : index
    %get3A_513 = tpu.vector_load %arg9[%get3A_511, %get3A_512] {strides = array<i32>} : memref<8x128xi32, #tpu.memory_space<vmem>>, vector<1x16xi32>,
    %get3A_514 = vector.shape_cast %get3A_513 : vector<1x16xi32> to vector<16xi32>
    %add3A_515 = arith.addi %get3A_514, %mul3A_27 : vector<16xi32>
    %swap3A_516 = arith.constant 4 : i32
    %swap3A_517 = arith.index_cast %swap3A_516 : i32 to index
    %swap3A_518 = arith.constant 80 : index
    %swap3A_519 = tpu.vector_load %arg9[%swap3A_517, %swap3A_518] {strides = array<i32>} : memref<8x128xi32, #tpu.memory_space<vmem>>, vector<1x16xi32>,
    %swap3A_520 = vector.shape_cast %swap3A_519 : vector<1x16xi32> to vector<16xi32>
    %swap3A_521 = vector.shape_cast %add3A_515 : vector<16xi32> to vector<1x16xi32>
    tpu.vector_store %arg9[%swap3A_517, %swap3A_518], %swap3A_521 {strides = array<i32>} : memref<8x128xi32, #tpu.memory_space<vmem>>, vector<1x16xi32>,
    %get3A_522 = arith.constant 4 : i32
    %get3A_523 = arith.index_cast %get3A_522 : i32 to index
    %get3A_524 = arith.constant 96 : index
    %get3A_525 = tpu.vector_load %arg9[%get3A_523, %get3A_524] {strides = array<i32>} : memref<8x128xi32, #tpu.memory_space<vmem>>, vector<1x16xi32>,
    %get3A_526 = vector.shape_cast %get3A_525 : vector<1x16xi32> to vector<16xi32>
    %add3A_527 = arith.addi %get3A_526, %mul3A_27 : vector<16xi32>
    %swap3A_528 = arith.constant 4 : i32
    %swap3A_529 = arith.index_cast %swap3A_528 : i32 to index
    %swap3A_530 = arith.constant 96 : index
    %swap3A_531 = tpu.vector_load %arg9[%swap3A_529, %swap3A_530] {strides = array<i32>} : memref<8x128xi32, #tpu.memory_space<vmem>>, vector<1x16xi32>,
    %swap3A_532 = vector.shape_cast %swap3A_531 : vector<1x16xi32> to vector<16xi32>
    %swap3A_533 = vector.shape_cast %add3A_527 : vector<16xi32> to vector<1x16xi32>
    tpu.vector_store %arg9[%swap3A_529, %swap3A_530], %swap3A_533 {strides = array<i32>} : memref<8x128xi32, #tpu.memory_space<vmem>>, vector<1x16xi32>,
    %get3A_534 = arith.constant 4 : i32
    %get3A_535 = arith.index_cast %get3A_534 : i32 to index
    %get3A_536 = arith.constant 112 : index
    %get3A_537 = tpu.vector_load %arg9[%get3A_535, %get3A_536] {strides = array<i32>} : memref<8x128xi32, #tpu.memory_space<vmem>>, vector<1x16xi32>,
    %get3A_538 = vector.shape_cast %get3A_537 : vector<1x16xi32> to vector<16xi32>
    %add3A_539 = arith.addi %get3A_538, %mul3A_27 : vector<16xi32>
    %swap3A_540 = arith.constant 4 : i32
    %swap3A_541 = arith.index_cast %swap3A_540 : i32 to index
    %swap3A_542 = arith.constant 112 : index
    %swap3A_543 = tpu.vector_load %arg9[%swap3A_541, %swap3A_542] {strides = array<i32>} : memref<8x128xi32, #tpu.memory_space<vmem>>, vector<1x16xi32>,
    %swap3A_544 = vector.shape_cast %swap3A_543 : vector<1x16xi32> to vector<16xi32>
    %swap3A_545 = vector.shape_cast %add3A_539 : vector<16xi32> to vector<1x16xi32>
    tpu.vector_store %arg9[%swap3A_541, %swap3A_542], %swap3A_545 {strides = array<i32>} : memref<8x128xi32, #tpu.memory_space<vmem>>, vector<1x16xi32>,
    %dma_start3A_546 = arith.constant 4 : i32
    %dma_start3A_547 = arith.constant 512 : i32
    %dma_start3A_548 = arith.constant 0 : i32
    %dma_start3A_549 = tpu.memref_slice %arg11[%dma_start3A_547, %dma_start3A_548] : memref<1024x16xf32, #tpu.memory_space<vmem>> -> memref<128x16xf32, #tpu.memory_space<vmem>>
    %dma_start3A_550 = arith.constant 0 : i32
    %dma_start3A_551 = tpu.memref_slice %arg9[%dma_start3A_546, %dma_start3A_550] : memref<8x128xi32, #tpu.memory_space<vmem>> -> memref<1x128xi32, #tpu.memory_space<vmem>>
    %dma_start3A_552 = tpu.memref_squeeze %dma_start3A_551 : memref<1x128xi32, #tpu.memory_space<vmem>> -> memref<128xi32, #tpu.memory_space<vmem>>
    %dma_start3A_553 = arith.constant 0 : i32
    %dma_start3A_554 = arith.constant 0 : i32
    %dma_start3A_555 = tpu.memref_slice %arg3[%dma_start3A_553, %dma_start3A_554] : memref<8000x16xf32, #tpu.memory_space<hbm>> -> memref<8000x16xf32, #tpu.memory_space<hbm>>
    tpu.enqueue_indirect_dma source(%dma_start3A_555 : memref<8000x16xf32, #tpu.memory_space<hbm>>) target(%dma_start3A_549 : memref<128x16xf32, #tpu.memory_space<vmem>>) offsets(%dma_start3A_552 : memref<128xi32, #tpu.memory_space<vmem>>) semaphore(%arg12 : memref<!tpu.dma_semaphore, #tpu.memory_space<semaphore_mem>>)
    %get3A_556 = arith.constant 5 : i32
    %get3A_557 = arith.index_cast %get3A_556 : i32 to index
    %get3A_558 = arith.constant 0 : index
    %get3A_559 = tpu.vector_load %arg9[%get3A_557, %get3A_558] {strides = array<i32>} : memref<8x128xi32, #tpu.memory_space<vmem>>, vector<1x16xi32>,
    %get3A_560 = vector.shape_cast %get3A_559 : vector<1x16xi32> to vector<16xi32>
    %add3A_561 = arith.addi %get3A_560, %mul3A_27 : vector<16xi32>
    %swap3A_562 = arith.constant 5 : i32
    %swap3A_563 = arith.index_cast %swap3A_562 : i32 to index
    %swap3A_564 = arith.constant 0 : index
    %swap3A_565 = tpu.vector_load %arg9[%swap3A_563, %swap3A_564] {strides = array<i32>} : memref<8x128xi32, #tpu.memory_space<vmem>>, vector<1x16xi32>,
    %swap3A_566 = vector.shape_cast %swap3A_565 : vector<1x16xi32> to vector<16xi32>
    %swap3A_567 = vector.shape_cast %add3A_561 : vector<16xi32> to vector<1x16xi32>
    tpu.vector_store %arg9[%swap3A_563, %swap3A_564], %swap3A_567 {strides = array<i32>} : memref<8x128xi32, #tpu.memory_space<vmem>>, vector<1x16xi32>,
    %get3A_568 = arith.constant 5 : i32
    %get3A_569 = arith.index_cast %get3A_568 : i32 to index
    %get3A_570 = arith.constant 16 : index
    %get3A_571 = tpu.vector_load %arg9[%get3A_569, %get3A_570] {strides = array<i32>} : memref<8x128xi32, #tpu.memory_space<vmem>>, vector<1x16xi32>,
    %get3A_572 = vector.shape_cast %get3A_571 : vector<1x16xi32> to vector<16xi32>
    %add3A_573 = arith.addi %get3A_572, %mul3A_27 : vector<16xi32>
    %swap3A_574 = arith.constant 5 : i32
    %swap3A_575 = arith.index_cast %swap3A_574 : i32 to index
    %swap3A_576 = arith.constant 16 : index
    %swap3A_577 = tpu.vector_load %arg9[%swap3A_575, %swap3A_576] {strides = array<i32>} : memref<8x128xi32, #tpu.memory_space<vmem>>, vector<1x16xi32>,
    %swap3A_578 = vector.shape_cast %swap3A_577 : vector<1x16xi32> to vector<16xi32>
    %swap3A_579 = vector.shape_cast %add3A_573 : vector<16xi32> to vector<1x16xi32>
    tpu.vector_store %arg9[%swap3A_575, %swap3A_576], %swap3A_579 {strides = array<i32>} : memref<8x128xi32, #tpu.memory_space<vmem>>, vector<1x16xi32>,
    %get3A_580 = arith.constant 5 : i32
    %get3A_581 = arith.index_cast %get3A_580 : i32 to index
    %get3A_582 = arith.constant 32 : index
    %get3A_583 = tpu.vector_load %arg9[%get3A_581, %get3A_582] {strides = array<i32>} : memref<8x128xi32, #tpu.memory_space<vmem>>, vector<1x16xi32>,
    %get3A_584 = vector.shape_cast %get3A_583 : vector<1x16xi32> to vector<16xi32>
    %add3A_585 = arith.addi %get3A_584, %mul3A_27 : vector<16xi32>
    %swap3A_586 = arith.constant 5 : i32
    %swap3A_587 = arith.index_cast %swap3A_586 : i32 to index
    %swap3A_588 = arith.constant 32 : index
    %swap3A_589 = tpu.vector_load %arg9[%swap3A_587, %swap3A_588] {strides = array<i32>} : memref<8x128xi32, #tpu.memory_space<vmem>>, vector<1x16xi32>,
    %swap3A_590 = vector.shape_cast %swap3A_589 : vector<1x16xi32> to vector<16xi32>
    %swap3A_591 = vector.shape_cast %add3A_585 : vector<16xi32> to vector<1x16xi32>
    tpu.vector_store %arg9[%swap3A_587, %swap3A_588], %swap3A_591 {strides = array<i32>} : memref<8x128xi32, #tpu.memory_space<vmem>>, vector<1x16xi32>,
    %get3A_592 = arith.constant 5 : i32
    %get3A_593 = arith.index_cast %get3A_592 : i32 to index
    %get3A_594 = arith.constant 48 : index
    %get3A_595 = tpu.vector_load %arg9[%get3A_593, %get3A_594] {strides = array<i32>} : memref<8x128xi32, #tpu.memory_space<vmem>>, vector<1x16xi32>,
    %get3A_596 = vector.shape_cast %get3A_595 : vector<1x16xi32> to vector<16xi32>
    %add3A_597 = arith.addi %get3A_596, %mul3A_27 : vector<16xi32>
    %swap3A_598 = arith.constant 5 : i32
    %swap3A_599 = arith.index_cast %swap3A_598 : i32 to index
    %swap3A_600 = arith.constant 48 : index
    %swap3A_601 = tpu.vector_load %arg9[%swap3A_599, %swap3A_600] {strides = array<i32>} : memref<8x128xi32, #tpu.memory_space<vmem>>, vector<1x16xi32>,
    %swap3A_602 = vector.shape_cast %swap3A_601 : vector<1x16xi32> to vector<16xi32>
    %swap3A_603 = vector.shape_cast %add3A_597 : vector<16xi32> to vector<1x16xi32>
    tpu.vector_store %arg9[%swap3A_599, %swap3A_600], %swap3A_603 {strides = array<i32>} : memref<8x128xi32, #tpu.memory_space<vmem>>, vector<1x16xi32>,
    %get3A_604 = arith.constant 5 : i32
    %get3A_605 = arith.index_cast %get3A_604 : i32 to index
    %get3A_606 = arith.constant 64 : index
    %get3A_607 = tpu.vector_load %arg9[%get3A_605, %get3A_606] {strides = array<i32>} : memref<8x128xi32, #tpu.memory_space<vmem>>, vector<1x16xi32>,
    %get3A_608 = vector.shape_cast %get3A_607 : vector<1x16xi32> to vector<16xi32>
    %add3A_609 = arith.addi %get3A_608, %mul3A_27 : vector<16xi32>
    %swap3A_610 = arith.constant 5 : i32
    %swap3A_611 = arith.index_cast %swap3A_610 : i32 to index
    %swap3A_612 = arith.constant 64 : index
    %swap3A_613 = tpu.vector_load %arg9[%swap3A_611, %swap3A_612] {strides = array<i32>} : memref<8x128xi32, #tpu.memory_space<vmem>>, vector<1x16xi32>,
    %swap3A_614 = vector.shape_cast %swap3A_613 : vector<1x16xi32> to vector<16xi32>
    %swap3A_615 = vector.shape_cast %add3A_609 : vector<16xi32> to vector<1x16xi32>
    tpu.vector_store %arg9[%swap3A_611, %swap3A_612], %swap3A_615 {strides = array<i32>} : memref<8x128xi32, #tpu.memory_space<vmem>>, vector<1x16xi32>,
    %get3A_616 = arith.constant 5 : i32
    %get3A_617 = arith.index_cast %get3A_616 : i32 to index
    %get3A_618 = arith.constant 80 : index
    %get3A_619 = tpu.vector_load %arg9[%get3A_617, %get3A_618] {strides = array<i32>} : memref<8x128xi32, #tpu.memory_space<vmem>>, vector<1x16xi32>,
    %get3A_620 = vector.shape_cast %get3A_619 : vector<1x16xi32> to vector<16xi32>
    %add3A_621 = arith.addi %get3A_620, %mul3A_27 : vector<16xi32>
    %swap3A_622 = arith.constant 5 : i32
    %swap3A_623 = arith.index_cast %swap3A_622 : i32 to index
    %swap3A_624 = arith.constant 80 : index
    %swap3A_625 = tpu.vector_load %arg9[%swap3A_623, %swap3A_624] {strides = array<i32>} : memref<8x128xi32, #tpu.memory_space<vmem>>, vector<1x16xi32>,
    %swap3A_626 = vector.shape_cast %swap3A_625 : vector<1x16xi32> to vector<16xi32>
    %swap3A_627 = vector.shape_cast %add3A_621 : vector<16xi32> to vector<1x16xi32>
    tpu.vector_store %arg9[%swap3A_623, %swap3A_624], %swap3A_627 {strides = array<i32>} : memref<8x128xi32, #tpu.memory_space<vmem>>, vector<1x16xi32>,
    %get3A_628 = arith.constant 5 : i32
    %get3A_629 = arith.index_cast %get3A_628 : i32 to index
    %get3A_630 = arith.constant 96 : index
    %get3A_631 = tpu.vector_load %arg9[%get3A_629, %get3A_630] {strides = array<i32>} : memref<8x128xi32, #tpu.memory_space<vmem>>, vector<1x16xi32>,
    %get3A_632 = vector.shape_cast %get3A_631 : vector<1x16xi32> to vector<16xi32>
    %add3A_633 = arith.addi %get3A_632, %mul3A_27 : vector<16xi32>
    %swap3A_634 = arith.constant 5 : i32
    %swap3A_635 = arith.index_cast %swap3A_634 : i32 to index
    %swap3A_636 = arith.constant 96 : index
    %swap3A_637 = tpu.vector_load %arg9[%swap3A_635, %swap3A_636] {strides = array<i32>} : memref<8x128xi32, #tpu.memory_space<vmem>>, vector<1x16xi32>,
    %swap3A_638 = vector.shape_cast %swap3A_637 : vector<1x16xi32> to vector<16xi32>
    %swap3A_639 = vector.shape_cast %add3A_633 : vector<16xi32> to vector<1x16xi32>
    tpu.vector_store %arg9[%swap3A_635, %swap3A_636], %swap3A_639 {strides = array<i32>} : memref<8x128xi32, #tpu.memory_space<vmem>>, vector<1x16xi32>,
    %get3A_640 = arith.constant 5 : i32
    %get3A_641 = arith.index_cast %get3A_640 : i32 to index
    %get3A_642 = arith.constant 112 : index
    %get3A_643 = tpu.vector_load %arg9[%get3A_641, %get3A_642] {strides = array<i32>} : memref<8x128xi32, #tpu.memory_space<vmem>>, vector<1x16xi32>,
    %get3A_644 = vector.shape_cast %get3A_643 : vector<1x16xi32> to vector<16xi32>
    %add3A_645 = arith.addi %get3A_644, %mul3A_27 : vector<16xi32>
    %swap3A_646 = arith.constant 5 : i32
    %swap3A_647 = arith.index_cast %swap3A_646 : i32 to index
    %swap3A_648 = arith.constant 112 : index
    %swap3A_649 = tpu.vector_load %arg9[%swap3A_647, %swap3A_648] {strides = array<i32>} : memref<8x128xi32, #tpu.memory_space<vmem>>, vector<1x16xi32>,
    %swap3A_650 = vector.shape_cast %swap3A_649 : vector<1x16xi32> to vector<16xi32>
    %swap3A_651 = vector.shape_cast %add3A_645 : vector<16xi32> to vector<1x16xi32>
    tpu.vector_store %arg9[%swap3A_647, %swap3A_648], %swap3A_651 {strides = array<i32>} : memref<8x128xi32, #tpu.memory_space<vmem>>, vector<1x16xi32>,
    %dma_start3A_652 = arith.constant 5 : i32
    %dma_start3A_653 = arith.constant 640 : i32
    %dma_start3A_654 = arith.constant 0 : i32
    %dma_start3A_655 = tpu.memref_slice %arg11[%dma_start3A_653, %dma_start3A_654] : memref<1024x16xf32, #tpu.memory_space<vmem>> -> memref<128x16xf32, #tpu.memory_space<vmem>>
    %dma_start3A_656 = arith.constant 0 : i32
    %dma_start3A_657 = tpu.memref_slice %arg9[%dma_start3A_652, %dma_start3A_656] : memref<8x128xi32, #tpu.memory_space<vmem>> -> memref<1x128xi32, #tpu.memory_space<vmem>>
    %dma_start3A_658 = tpu.memref_squeeze %dma_start3A_657 : memref<1x128xi32, #tpu.memory_space<vmem>> -> memref<128xi32, #tpu.memory_space<vmem>>
    %dma_start3A_659 = arith.constant 0 : i32
    %dma_start3A_660 = arith.constant 0 : i32
    %dma_start3A_661 = tpu.memref_slice %arg3[%dma_start3A_659, %dma_start3A_660] : memref<8000x16xf32, #tpu.memory_space<hbm>> -> memref<8000x16xf32, #tpu.memory_space<hbm>>
    tpu.enqueue_indirect_dma source(%dma_start3A_661 : memref<8000x16xf32, #tpu.memory_space<hbm>>) target(%dma_start3A_655 : memref<128x16xf32, #tpu.memory_space<vmem>>) offsets(%dma_start3A_658 : memref<128xi32, #tpu.memory_space<vmem>>) semaphore(%arg12 : memref<!tpu.dma_semaphore, #tpu.memory_space<semaphore_mem>>)
    %get3A_662 = arith.constant 6 : i32
    %get3A_663 = arith.index_cast %get3A_662 : i32 to index
    %get3A_664 = arith.constant 0 : index
    %get3A_665 = tpu.vector_load %arg9[%get3A_663, %get3A_664] {strides = array<i32>} : memref<8x128xi32, #tpu.memory_space<vmem>>, vector<1x16xi32>,
    %get3A_666 = vector.shape_cast %get3A_665 : vector<1x16xi32> to vector<16xi32>
    %add3A_667 = arith.addi %get3A_666, %mul3A_27 : vector<16xi32>
    %swap3A_668 = arith.constant 6 : i32
    %swap3A_669 = arith.index_cast %swap3A_668 : i32 to index
    %swap3A_670 = arith.constant 0 : index
    %swap3A_671 = tpu.vector_load %arg9[%swap3A_669, %swap3A_670] {strides = array<i32>} : memref<8x128xi32, #tpu.memory_space<vmem>>, vector<1x16xi32>,
    %swap3A_672 = vector.shape_cast %swap3A_671 : vector<1x16xi32> to vector<16xi32>
    %swap3A_673 = vector.shape_cast %add3A_667 : vector<16xi32> to vector<1x16xi32>
    tpu.vector_store %arg9[%swap3A_669, %swap3A_670], %swap3A_673 {strides = array<i32>} : memref<8x128xi32, #tpu.memory_space<vmem>>, vector<1x16xi32>,
    %get3A_674 = arith.constant 6 : i32
    %get3A_675 = arith.index_cast %get3A_674 : i32 to index
    %get3A_676 = arith.constant 16 : index
    %get3A_677 = tpu.vector_load %arg9[%get3A_675, %get3A_676] {strides = array<i32>} : memref<8x128xi32, #tpu.memory_space<vmem>>, vector<1x16xi32>,
    %get3A_678 = vector.shape_cast %get3A_677 : vector<1x16xi32> to vector<16xi32>
    %add3A_679 = arith.addi %get3A_678, %mul3A_27 : vector<16xi32>
    %swap3A_680 = arith.constant 6 : i32
    %swap3A_681 = arith.index_cast %swap3A_680 : i32 to index
    %swap3A_682 = arith.constant 16 : index
    %swap3A_683 = tpu.vector_load %arg9[%swap3A_681, %swap3A_682] {strides = array<i32>} : memref<8x128xi32, #tpu.memory_space<vmem>>, vector<1x16xi32>,
    %swap3A_684 = vector.shape_cast %swap3A_683 : vector<1x16xi32> to vector<16xi32>
    %swap3A_685 = vector.shape_cast %add3A_679 : vector<16xi32> to vector<1x16xi32>
    tpu.vector_store %arg9[%swap3A_681, %swap3A_682], %swap3A_685 {strides = array<i32>} : memref<8x128xi32, #tpu.memory_space<vmem>>, vector<1x16xi32>,
    %get3A_686 = arith.constant 6 : i32
    %get3A_687 = arith.index_cast %get3A_686 : i32 to index
    %get3A_688 = arith.constant 32 : index
    %get3A_689 = tpu.vector_load %arg9[%get3A_687, %get3A_688] {strides = array<i32>} : memref<8x128xi32, #tpu.memory_space<vmem>>, vector<1x16xi32>,
    %get3A_690 = vector.shape_cast %get3A_689 : vector<1x16xi32> to vector<16xi32>
    %add3A_691 = arith.addi %get3A_690, %mul3A_27 : vector<16xi32>
    %swap3A_692 = arith.constant 6 : i32
    %swap3A_693 = arith.index_cast %swap3A_692 : i32 to index
    %swap3A_694 = arith.constant 32 : index
    %swap3A_695 = tpu.vector_load %arg9[%swap3A_693, %swap3A_694] {strides = array<i32>} : memref<8x128xi32, #tpu.memory_space<vmem>>, vector<1x16xi32>,
    %swap3A_696 = vector.shape_cast %swap3A_695 : vector<1x16xi32> to vector<16xi32>
    %swap3A_697 = vector.shape_cast %add3A_691 : vector<16xi32> to vector<1x16xi32>
    tpu.vector_store %arg9[%swap3A_693, %swap3A_694], %swap3A_697 {strides = array<i32>} : memref<8x128xi32, #tpu.memory_space<vmem>>, vector<1x16xi32>,
    %get3A_698 = arith.constant 6 : i32
    %get3A_699 = arith.index_cast %get3A_698 : i32 to index
    %get3A_700 = arith.constant 48 : index
    %get3A_701 = tpu.vector_load %arg9[%get3A_699, %get3A_700] {strides = array<i32>} : memref<8x128xi32, #tpu.memory_space<vmem>>, vector<1x16xi32>,
    %get3A_702 = vector.shape_cast %get3A_701 : vector<1x16xi32> to vector<16xi32>
    %add3A_703 = arith.addi %get3A_702, %mul3A_27 : vector<16xi32>
    %swap3A_704 = arith.constant 6 : i32
    %swap3A_705 = arith.index_cast %swap3A_704 : i32 to index
    %swap3A_706 = arith.constant 48 : index
    %swap3A_707 = tpu.vector_load %arg9[%swap3A_705, %swap3A_706] {strides = array<i32>} : memref<8x128xi32, #tpu.memory_space<vmem>>, vector<1x16xi32>,
    %swap3A_708 = vector.shape_cast %swap3A_707 : vector<1x16xi32> to vector<16xi32>
    %swap3A_709 = vector.shape_cast %add3A_703 : vector<16xi32> to vector<1x16xi32>
    tpu.vector_store %arg9[%swap3A_705, %swap3A_706], %swap3A_709 {strides = array<i32>} : memref<8x128xi32, #tpu.memory_space<vmem>>, vector<1x16xi32>,
    %get3A_710 = arith.constant 6 : i32
    %get3A_711 = arith.index_cast %get3A_710 : i32 to index
    %get3A_712 = arith.constant 64 : index
    %get3A_713 = tpu.vector_load %arg9[%get3A_711, %get3A_712] {strides = array<i32>} : memref<8x128xi32, #tpu.memory_space<vmem>>, vector<1x16xi32>,
    %get3A_714 = vector.shape_cast %get3A_713 : vector<1x16xi32> to vector<16xi32>
    %add3A_715 = arith.addi %get3A_714, %mul3A_27 : vector<16xi32>
    %swap3A_716 = arith.constant 6 : i32
    %swap3A_717 = arith.index_cast %swap3A_716 : i32 to index
    %swap3A_718 = arith.constant 64 : index
    %swap3A_719 = tpu.vector_load %arg9[%swap3A_717, %swap3A_718] {strides = array<i32>} : memref<8x128xi32, #tpu.memory_space<vmem>>, vector<1x16xi32>,
    %swap3A_720 = vector.shape_cast %swap3A_719 : vector<1x16xi32> to vector<16xi32>
    %swap3A_721 = vector.shape_cast %add3A_715 : vector<16xi32> to vector<1x16xi32>
    tpu.vector_store %arg9[%swap3A_717, %swap3A_718], %swap3A_721 {strides = array<i32>} : memref<8x128xi32, #tpu.memory_space<vmem>>, vector<1x16xi32>,
    %get3A_722 = arith.constant 6 : i32
    %get3A_723 = arith.index_cast %get3A_722 : i32 to index
    %get3A_724 = arith.constant 80 : index
    %get3A_725 = tpu.vector_load %arg9[%get3A_723, %get3A_724] {strides = array<i32>} : memref<8x128xi32, #tpu.memory_space<vmem>>, vector<1x16xi32>,
    %get3A_726 = vector.shape_cast %get3A_725 : vector<1x16xi32> to vector<16xi32>
    %add3A_727 = arith.addi %get3A_726, %mul3A_27 : vector<16xi32>
    %swap3A_728 = arith.constant 6 : i32
    %swap3A_729 = arith.index_cast %swap3A_728 : i32 to index
    %swap3A_730 = arith.constant 80 : index
    %swap3A_731 = tpu.vector_load %arg9[%swap3A_729, %swap3A_730] {strides = array<i32>} : memref<8x128xi32, #tpu.memory_space<vmem>>, vector<1x16xi32>,
    %swap3A_732 = vector.shape_cast %swap3A_731 : vector<1x16xi32> to vector<16xi32>
    %swap3A_733 = vector.shape_cast %add3A_727 : vector<16xi32> to vector<1x16xi32>
    tpu.vector_store %arg9[%swap3A_729, %swap3A_730], %swap3A_733 {strides = array<i32>} : memref<8x128xi32, #tpu.memory_space<vmem>>, vector<1x16xi32>,
    %get3A_734 = arith.constant 6 : i32
    %get3A_735 = arith.index_cast %get3A_734 : i32 to index
    %get3A_736 = arith.constant 96 : index
    %get3A_737 = tpu.vector_load %arg9[%get3A_735, %get3A_736] {strides = array<i32>} : memref<8x128xi32, #tpu.memory_space<vmem>>, vector<1x16xi32>,
    %get3A_738 = vector.shape_cast %get3A_737 : vector<1x16xi32> to vector<16xi32>
    %add3A_739 = arith.addi %get3A_738, %mul3A_27 : vector<16xi32>
    %swap3A_740 = arith.constant 6 : i32
    %swap3A_741 = arith.index_cast %swap3A_740 : i32 to index
    %swap3A_742 = arith.constant 96 : index
    %swap3A_743 = tpu.vector_load %arg9[%swap3A_741, %swap3A_742] {strides = array<i32>} : memref<8x128xi32, #tpu.memory_space<vmem>>, vector<1x16xi32>,
    %swap3A_744 = vector.shape_cast %swap3A_743 : vector<1x16xi32> to vector<16xi32>
    %swap3A_745 = vector.shape_cast %add3A_739 : vector<16xi32> to vector<1x16xi32>
    tpu.vector_store %arg9[%swap3A_741, %swap3A_742], %swap3A_745 {strides = array<i32>} : memref<8x128xi32, #tpu.memory_space<vmem>>, vector<1x16xi32>,
    %get3A_746 = arith.constant 6 : i32
    %get3A_747 = arith.index_cast %get3A_746 : i32 to index
    %get3A_748 = arith.constant 112 : index
    %get3A_749 = tpu.vector_load %arg9[%get3A_747, %get3A_748] {strides = array<i32>} : memref<8x128xi32, #tpu.memory_space<vmem>>, vector<1x16xi32>,
    %get3A_750 = vector.shape_cast %get3A_749 : vector<1x16xi32> to vector<16xi32>
    %add3A_751 = arith.addi %get3A_750, %mul3A_27 : vector<16xi32>
    %swap3A_752 = arith.constant 6 : i32
    %swap3A_753 = arith.index_cast %swap3A_752 : i32 to index
    %swap3A_754 = arith.constant 112 : index
    %swap3A_755 = tpu.vector_load %arg9[%swap3A_753, %swap3A_754] {strides = array<i32>} : memref<8x128xi32, #tpu.memory_space<vmem>>, vector<1x16xi32>,
    %swap3A_756 = vector.shape_cast %swap3A_755 : vector<1x16xi32> to vector<16xi32>
    %swap3A_757 = vector.shape_cast %add3A_751 : vector<16xi32> to vector<1x16xi32>
    tpu.vector_store %arg9[%swap3A_753, %swap3A_754], %swap3A_757 {strides = array<i32>} : memref<8x128xi32, #tpu.memory_space<vmem>>, vector<1x16xi32>,
    %dma_start3A_758 = arith.constant 6 : i32
    %dma_start3A_759 = arith.constant 768 : i32
    %dma_start3A_760 = arith.constant 0 : i32
    %dma_start3A_761 = tpu.memref_slice %arg11[%dma_start3A_759, %dma_start3A_760] : memref<1024x16xf32, #tpu.memory_space<vmem>> -> memref<128x16xf32, #tpu.memory_space<vmem>>
    %dma_start3A_762 = arith.constant 0 : i32
    %dma_start3A_763 = tpu.memref_slice %arg9[%dma_start3A_758, %dma_start3A_762] : memref<8x128xi32, #tpu.memory_space<vmem>> -> memref<1x128xi32, #tpu.memory_space<vmem>>
    %dma_start3A_764 = tpu.memref_squeeze %dma_start3A_763 : memref<1x128xi32, #tpu.memory_space<vmem>> -> memref<128xi32, #tpu.memory_space<vmem>>
    %dma_start3A_765 = arith.constant 0 : i32
    %dma_start3A_766 = arith.constant 0 : i32
    %dma_start3A_767 = tpu.memref_slice %arg3[%dma_start3A_765, %dma_start3A_766] : memref<8000x16xf32, #tpu.memory_space<hbm>> -> memref<8000x16xf32, #tpu.memory_space<hbm>>
    tpu.enqueue_indirect_dma source(%dma_start3A_767 : memref<8000x16xf32, #tpu.memory_space<hbm>>) target(%dma_start3A_761 : memref<128x16xf32, #tpu.memory_space<vmem>>) offsets(%dma_start3A_764 : memref<128xi32, #tpu.memory_space<vmem>>) semaphore(%arg12 : memref<!tpu.dma_semaphore, #tpu.memory_space<semaphore_mem>>)
    %get3A_768 = arith.constant 7 : i32
    %get3A_769 = arith.index_cast %get3A_768 : i32 to index
    %get3A_770 = arith.constant 0 : index
    %get3A_771 = tpu.vector_load %arg9[%get3A_769, %get3A_770] {strides = array<i32>} : memref<8x128xi32, #tpu.memory_space<vmem>>, vector<1x16xi32>,
    %get3A_772 = vector.shape_cast %get3A_771 : vector<1x16xi32> to vector<16xi32>
    %add3A_773 = arith.addi %get3A_772, %mul3A_27 : vector<16xi32>
    %swap3A_774 = arith.constant 7 : i32
    %swap3A_775 = arith.index_cast %swap3A_774 : i32 to index
    %swap3A_776 = arith.constant 0 : index
    %swap3A_777 = tpu.vector_load %arg9[%swap3A_775, %swap3A_776] {strides = array<i32>} : memref<8x128xi32, #tpu.memory_space<vmem>>, vector<1x16xi32>,
    %swap3A_778 = vector.shape_cast %swap3A_777 : vector<1x16xi32> to vector<16xi32>
    %swap3A_779 = vector.shape_cast %add3A_773 : vector<16xi32> to vector<1x16xi32>
    tpu.vector_store %arg9[%swap3A_775, %swap3A_776], %swap3A_779 {strides = array<i32>} : memref<8x128xi32, #tpu.memory_space<vmem>>, vector<1x16xi32>,
    %get3A_780 = arith.constant 7 : i32
    %get3A_781 = arith.index_cast %get3A_780 : i32 to index
    %get3A_782 = arith.constant 16 : index
    %get3A_783 = tpu.vector_load %arg9[%get3A_781, %get3A_782] {strides = array<i32>} : memref<8x128xi32, #tpu.memory_space<vmem>>, vector<1x16xi32>,
    %get3A_784 = vector.shape_cast %get3A_783 : vector<1x16xi32> to vector<16xi32>
    %add3A_785 = arith.addi %get3A_784, %mul3A_27 : vector<16xi32>
    %swap3A_786 = arith.constant 7 : i32
    %swap3A_787 = arith.index_cast %swap3A_786 : i32 to index
    %swap3A_788 = arith.constant 16 : index
    %swap3A_789 = tpu.vector_load %arg9[%swap3A_787, %swap3A_788] {strides = array<i32>} : memref<8x128xi32, #tpu.memory_space<vmem>>, vector<1x16xi32>,
    %swap3A_790 = vector.shape_cast %swap3A_789 : vector<1x16xi32> to vector<16xi32>
    %swap3A_791 = vector.shape_cast %add3A_785 : vector<16xi32> to vector<1x16xi32>
    tpu.vector_store %arg9[%swap3A_787, %swap3A_788], %swap3A_791 {strides = array<i32>} : memref<8x128xi32, #tpu.memory_space<vmem>>, vector<1x16xi32>,
    %get3A_792 = arith.constant 7 : i32
    %get3A_793 = arith.index_cast %get3A_792 : i32 to index
    %get3A_794 = arith.constant 32 : index
    %get3A_795 = tpu.vector_load %arg9[%get3A_793, %get3A_794] {strides = array<i32>} : memref<8x128xi32, #tpu.memory_space<vmem>>, vector<1x16xi32>,
    %get3A_796 = vector.shape_cast %get3A_795 : vector<1x16xi32> to vector<16xi32>
    %add3A_797 = arith.addi %get3A_796, %mul3A_27 : vector<16xi32>
    %swap3A_798 = arith.constant 7 : i32
    %swap3A_799 = arith.index_cast %swap3A_798 : i32 to index
    %swap3A_800 = arith.constant 32 : index
    %swap3A_801 = tpu.vector_load %arg9[%swap3A_799, %swap3A_800] {strides = array<i32>} : memref<8x128xi32, #tpu.memory_space<vmem>>, vector<1x16xi32>,
    %swap3A_802 = vector.shape_cast %swap3A_801 : vector<1x16xi32> to vector<16xi32>
    %swap3A_803 = vector.shape_cast %add3A_797 : vector<16xi32> to vector<1x16xi32>
    tpu.vector_store %arg9[%swap3A_799, %swap3A_800], %swap3A_803 {strides = array<i32>} : memref<8x128xi32, #tpu.memory_space<vmem>>, vector<1x16xi32>,
    %get3A_804 = arith.constant 7 : i32
    %get3A_805 = arith.index_cast %get3A_804 : i32 to index
    %get3A_806 = arith.constant 48 : index
    %get3A_807 = tpu.vector_load %arg9[%get3A_805, %get3A_806] {strides = array<i32>} : memref<8x128xi32, #tpu.memory_space<vmem>>, vector<1x16xi32>,
    %get3A_808 = vector.shape_cast %get3A_807 : vector<1x16xi32> to vector<16xi32>
    %add3A_809 = arith.addi %get3A_808, %mul3A_27 : vector<16xi32>
    %swap3A_810 = arith.constant 7 : i32
    %swap3A_811 = arith.index_cast %swap3A_810 : i32 to index
    %swap3A_812 = arith.constant 48 : index
    %swap3A_813 = tpu.vector_load %arg9[%swap3A_811, %swap3A_812] {strides = array<i32>} : memref<8x128xi32, #tpu.memory_space<vmem>>, vector<1x16xi32>,
    %swap3A_814 = vector.shape_cast %swap3A_813 : vector<1x16xi32> to vector<16xi32>
    %swap3A_815 = vector.shape_cast %add3A_809 : vector<16xi32> to vector<1x16xi32>
    tpu.vector_store %arg9[%swap3A_811, %swap3A_812], %swap3A_815 {strides = array<i32>} : memref<8x128xi32, #tpu.memory_space<vmem>>, vector<1x16xi32>,
    %get3A_816 = arith.constant 7 : i32
    %get3A_817 = arith.index_cast %get3A_816 : i32 to index
    %get3A_818 = arith.constant 64 : index
    %get3A_819 = tpu.vector_load %arg9[%get3A_817, %get3A_818] {strides = array<i32>} : memref<8x128xi32, #tpu.memory_space<vmem>>, vector<1x16xi32>,
    %get3A_820 = vector.shape_cast %get3A_819 : vector<1x16xi32> to vector<16xi32>
    %add3A_821 = arith.addi %get3A_820, %mul3A_27 : vector<16xi32>
    %swap3A_822 = arith.constant 7 : i32
    %swap3A_823 = arith.index_cast %swap3A_822 : i32 to index
    %swap3A_824 = arith.constant 64 : index
    %swap3A_825 = tpu.vector_load %arg9[%swap3A_823, %swap3A_824] {strides = array<i32>} : memref<8x128xi32, #tpu.memory_space<vmem>>, vector<1x16xi32>,
    %swap3A_826 = vector.shape_cast %swap3A_825 : vector<1x16xi32> to vector<16xi32>
    %swap3A_827 = vector.shape_cast %add3A_821 : vector<16xi32> to vector<1x16xi32>
    tpu.vector_store %arg9[%swap3A_823, %swap3A_824], %swap3A_827 {strides = array<i32>} : memref<8x128xi32, #tpu.memory_space<vmem>>, vector<1x16xi32>,
    %get3A_828 = arith.constant 7 : i32
    %get3A_829 = arith.index_cast %get3A_828 : i32 to index
    %get3A_830 = arith.constant 80 : index
    %get3A_831 = tpu.vector_load %arg9[%get3A_829, %get3A_830] {strides = array<i32>} : memref<8x128xi32, #tpu.memory_space<vmem>>, vector<1x16xi32>,
    %get3A_832 = vector.shape_cast %get3A_831 : vector<1x16xi32> to vector<16xi32>
    %add3A_833 = arith.addi %get3A_832, %mul3A_27 : vector<16xi32>
    %swap3A_834 = arith.constant 7 : i32
    %swap3A_835 = arith.index_cast %swap3A_834 : i32 to index
    %swap3A_836 = arith.constant 80 : index
    %swap3A_837 = tpu.vector_load %arg9[%swap3A_835, %swap3A_836] {strides = array<i32>} : memref<8x128xi32, #tpu.memory_space<vmem>>, vector<1x16xi32>,
    %swap3A_838 = vector.shape_cast %swap3A_837 : vector<1x16xi32> to vector<16xi32>
    %swap3A_839 = vector.shape_cast %add3A_833 : vector<16xi32> to vector<1x16xi32>
    tpu.vector_store %arg9[%swap3A_835, %swap3A_836], %swap3A_839 {strides = array<i32>} : memref<8x128xi32, #tpu.memory_space<vmem>>, vector<1x16xi32>,
    %get3A_840 = arith.constant 7 : i32
    %get3A_841 = arith.index_cast %get3A_840 : i32 to index
    %get3A_842 = arith.constant 96 : index
    %get3A_843 = tpu.vector_load %arg9[%get3A_841, %get3A_842] {strides = array<i32>} : memref<8x128xi32, #tpu.memory_space<vmem>>, vector<1x16xi32>,
    %get3A_844 = vector.shape_cast %get3A_843 : vector<1x16xi32> to vector<16xi32>
    %add3A_845 = arith.addi %get3A_844, %mul3A_27 : vector<16xi32>
    %swap3A_846 = arith.constant 7 : i32
    %swap3A_847 = arith.index_cast %swap3A_846 : i32 to index
    %swap3A_848 = arith.constant 96 : index
    %swap3A_849 = tpu.vector_load %arg9[%swap3A_847, %swap3A_848] {strides = array<i32>} : memref<8x128xi32, #tpu.memory_space<vmem>>, vector<1x16xi32>,
    %swap3A_850 = vector.shape_cast %swap3A_849 : vector<1x16xi32> to vector<16xi32>
    %swap3A_851 = vector.shape_cast %add3A_845 : vector<16xi32> to vector<1x16xi32>
    tpu.vector_store %arg9[%swap3A_847, %swap3A_848], %swap3A_851 {strides = array<i32>} : memref<8x128xi32, #tpu.memory_space<vmem>>, vector<1x16xi32>,
    %get3A_852 = arith.constant 7 : i32
    %get3A_853 = arith.index_cast %get3A_852 : i32 to index
    %get3A_854 = arith.constant 112 : index
    %get3A_855 = tpu.vector_load %arg9[%get3A_853, %get3A_854] {strides = array<i32>} : memref<8x128xi32, #tpu.memory_space<vmem>>, vector<1x16xi32>,
    %get3A_856 = vector.shape_cast %get3A_855 : vector<1x16xi32> to vector<16xi32>
    %add3A_857 = arith.addi %get3A_856, %mul3A_27 : vector<16xi32>
    %swap3A_858 = arith.constant 7 : i32
    %swap3A_859 = arith.index_cast %swap3A_858 : i32 to index
    %swap3A_860 = arith.constant 112 : index
    %swap3A_861 = tpu.vector_load %arg9[%swap3A_859, %swap3A_860] {strides = array<i32>} : memref<8x128xi32, #tpu.memory_space<vmem>>, vector<1x16xi32>,
    %swap3A_862 = vector.shape_cast %swap3A_861 : vector<1x16xi32> to vector<16xi32>
    %swap3A_863 = vector.shape_cast %add3A_857 : vector<16xi32> to vector<1x16xi32>
    tpu.vector_store %arg9[%swap3A_859, %swap3A_860], %swap3A_863 {strides = array<i32>} : memref<8x128xi32, #tpu.memory_space<vmem>>, vector<1x16xi32>,
    %dma_start3A_864 = arith.constant 7 : i32
    %dma_start3A_865 = arith.constant 896 : i32
    %dma_start3A_866 = arith.constant 0 : i32
    %dma_start3A_867 = tpu.memref_slice %arg11[%dma_start3A_865, %dma_start3A_866] : memref<1024x16xf32, #tpu.memory_space<vmem>> -> memref<128x16xf32, #tpu.memory_space<vmem>>
    %dma_start3A_868 = arith.constant 0 : i32
    %dma_start3A_869 = tpu.memref_slice %arg9[%dma_start3A_864, %dma_start3A_868] : memref<8x128xi32, #tpu.memory_space<vmem>> -> memref<1x128xi32, #tpu.memory_space<vmem>>
    %dma_start3A_870 = tpu.memref_squeeze %dma_start3A_869 : memref<1x128xi32, #tpu.memory_space<vmem>> -> memref<128xi32, #tpu.memory_space<vmem>>
    %dma_start3A_871 = arith.constant 0 : i32
    %dma_start3A_872 = arith.constant 0 : i32
    %dma_start3A_873 = tpu.memref_slice %arg3[%dma_start3A_871, %dma_start3A_872] : memref<8000x16xf32, #tpu.memory_space<hbm>> -> memref<8000x16xf32, #tpu.memory_space<hbm>>
    tpu.enqueue_indirect_dma source(%dma_start3A_873 : memref<8000x16xf32, #tpu.memory_space<hbm>>) target(%dma_start3A_867 : memref<128x16xf32, #tpu.memory_space<vmem>>) offsets(%dma_start3A_870 : memref<128xi32, #tpu.memory_space<vmem>>) semaphore(%arg12 : memref<!tpu.dma_semaphore, #tpu.memory_space<semaphore_mem>>)
    %dma_wait3A_874 = arith.constant 0 : i32
    %dma_wait3A_875 = arith.constant 0 : i32
    %dma_wait3A_876 = tpu.memref_slice %arg2[%dma_wait3A_874, %dma_wait3A_875] : memref<7176x32xf32, #tpu.memory_space<hbm>> -> memref<7176x32xf32, #tpu.memory_space<hbm>>
    tpu.wait_indirect_dma semaphore(%arg12 : memref<!tpu.dma_semaphore, #tpu.memory_space<semaphore_mem>>) src(%dma_wait3A_876 : memref<7176x32xf32, #tpu.memory_space<hbm>>) dst(%arg10 : memref<128x32xf32, #tpu.memory_space<vmem>>)
    %dma_start3A_877 = arith.constant 0 : i32
    %dma_start3A_878 = tpu.memref_slice %arg7[%mul3A_2, %dma_start3A_877] : memref<4096x128xf32, #tpu.memory_space<hbm>> -> memref<128x32xf32, #tpu.memory_space<hbm>>
    %dma_start3A_879 = arith.constant 0 : i32
    %dma_start3A_880 = tpu.memref_slice %arg7[%mul3A_2, %dma_start3A_879] : memref<4096x128xf32, #tpu.memory_space<hbm>> -> memref<128x32xf32, #tpu.memory_space<hbm>>
    tpu.enqueue_dma source(%arg10 : memref<128x32xf32, #tpu.memory_space<vmem>>) target(%dma_start3A_880 : memref<128x32xf32, #tpu.memory_space<hbm>>) target_semaphore(%arg13 : memref<!tpu.dma_semaphore, #tpu.memory_space<semaphore_mem>>)
    %dma_wait3A_881 = arith.constant 0 : i32
    %dma_wait3A_882 = arith.constant 0 : i32
    %dma_wait3A_883 = arith.constant 0 : i32
    %dma_wait3A_884 = tpu.memref_slice %arg11[%dma_wait3A_882, %dma_wait3A_883] : memref<1024x16xf32, #tpu.memory_space<vmem>> -> memref<128x16xf32, #tpu.memory_space<vmem>>
    %dma_wait3A_885 = arith.constant 0 : i32
    %dma_wait3A_886 = tpu.memref_slice %arg9[%dma_wait3A_881, %dma_wait3A_885] : memref<8x128xi32, #tpu.memory_space<vmem>> -> memref<1x128xi32, #tpu.memory_space<vmem>>
    %dma_wait3A_887 = tpu.memref_squeeze %dma_wait3A_886 : memref<1x128xi32, #tpu.memory_space<vmem>> -> memref<128xi32, #tpu.memory_space<vmem>>
    %dma_wait3A_888 = arith.constant 0 : i32
    %dma_wait3A_889 = arith.constant 0 : i32
    %dma_wait3A_890 = tpu.memref_slice %arg3[%dma_wait3A_888, %dma_wait3A_889] : memref<8000x16xf32, #tpu.memory_space<hbm>> -> memref<8000x16xf32, #tpu.memory_space<hbm>>
    tpu.wait_indirect_dma semaphore(%arg12 : memref<!tpu.dma_semaphore, #tpu.memory_space<semaphore_mem>>) src(%dma_wait3A_890 : memref<8000x16xf32, #tpu.memory_space<hbm>>) dst(%dma_wait3A_884 : memref<128x16xf32, #tpu.memory_space<vmem>>)
    %dma_start3A_891 = arith.constant 0 : i32
    %dma_start3A_892 = arith.constant 0 : i32
    %dma_start3A_893 = tpu.memref_slice %arg11[%dma_start3A_891, %dma_start3A_892] : memref<1024x16xf32, #tpu.memory_space<vmem>> -> memref<128x16xf32, #tpu.memory_space<vmem>>
    %dma_start3A_894 = arith.constant 0 : i32
    %dma_start3A_895 = arith.constant 0 : i32
    %dma_start3A_896 = tpu.memref_slice %arg6[%add3A, %dma_start3A_894, %dma_start3A_895] : memref<32x1024x16xf32, #tpu.memory_space<hbm>> -> memref<1x1024x16xf32, #tpu.memory_space<hbm>>
    %dma_start3A_897 = tpu.memref_squeeze %dma_start3A_896 : memref<1x1024x16xf32, #tpu.memory_space<hbm>> -> memref<1024x16xf32, #tpu.memory_space<hbm>>
    %dma_start3A_898 = arith.constant 0 : i32
    %dma_start3A_899 = arith.constant 0 : i32
    %dma_start3A_900 = tpu.memref_slice %dma_start3A_897[%dma_start3A_898, %dma_start3A_899] : memref<1024x16xf32, #tpu.memory_space<hbm>> -> memref<128x16xf32, #tpu.memory_space<hbm>>
    %dma_start3A_901 = arith.constant 0 : i32
    %dma_start3A_902 = arith.constant 0 : i32
    %dma_start3A_903 = tpu.memref_slice %arg6[%add3A, %dma_start3A_901, %dma_start3A_902] : memref<32x1024x16xf32, #tpu.memory_space<hbm>> -> memref<1x1024x16xf32, #tpu.memory_space<hbm>>
    %dma_start3A_904 = tpu.memref_squeeze %dma_start3A_903 : memref<1x1024x16xf32, #tpu.memory_space<hbm>> -> memref<1024x16xf32, #tpu.memory_space<hbm>>
    %dma_start3A_905 = arith.constant 0 : i32
    %dma_start3A_906 = arith.constant 0 : i32
    %dma_start3A_907 = tpu.memref_slice %dma_start3A_904[%dma_start3A_905, %dma_start3A_906] : memref<1024x16xf32, #tpu.memory_space<hbm>> -> memref<128x16xf32, #tpu.memory_space<hbm>>
    %dma_start3A_908 = arith.constant 0 : i32
    %dma_start3A_909 = arith.constant 0 : i32
    %dma_start3A_910 = tpu.memref_slice %arg11[%dma_start3A_908, %dma_start3A_909] : memref<1024x16xf32, #tpu.memory_space<vmem>> -> memref<128x16xf32, #tpu.memory_space<vmem>>
    tpu.enqueue_dma source(%dma_start3A_910 : memref<128x16xf32, #tpu.memory_space<vmem>>) target(%dma_start3A_907 : memref<128x16xf32, #tpu.memory_space<hbm>>) target_semaphore(%arg13 : memref<!tpu.dma_semaphore, #tpu.memory_space<semaphore_mem>>)
    %dma_wait3A_911 = arith.constant 1 : i32
    %dma_wait3A_912 = arith.constant 128 : i32
    %dma_wait3A_913 = arith.constant 0 : i32
    %dma_wait3A_914 = tpu.memref_slice %arg11[%dma_wait3A_912, %dma_wait3A_913] : memref<1024x16xf32, #tpu.memory_space<vmem>> -> memref<128x16xf32, #tpu.memory_space<vmem>>
    %dma_wait3A_915 = arith.constant 0 : i32
    %dma_wait3A_916 = tpu.memref_slice %arg9[%dma_wait3A_911, %dma_wait3A_915] : memref<8x128xi32, #tpu.memory_space<vmem>> -> memref<1x128xi32, #tpu.memory_space<vmem>>
    %dma_wait3A_917 = tpu.memref_squeeze %dma_wait3A_916 : memref<1x128xi32, #tpu.memory_space<vmem>> -> memref<128xi32, #tpu.memory_space<vmem>>
    %dma_wait3A_918 = arith.constant 0 : i32
    %dma_wait3A_919 = arith.constant 0 : i32
    %dma_wait3A_920 = tpu.memref_slice %arg3[%dma_wait3A_918, %dma_wait3A_919] : memref<8000x16xf32, #tpu.memory_space<hbm>> -> memref<8000x16xf32, #tpu.memory_space<hbm>>
    tpu.wait_indirect_dma semaphore(%arg12 : memref<!tpu.dma_semaphore, #tpu.memory_space<semaphore_mem>>) src(%dma_wait3A_920 : memref<8000x16xf32, #tpu.memory_space<hbm>>) dst(%dma_wait3A_914 : memref<128x16xf32, #tpu.memory_space<vmem>>)
    %dma_start3A_921 = arith.constant 128 : i32
    %dma_start3A_922 = arith.constant 0 : i32
    %dma_start3A_923 = tpu.memref_slice %arg11[%dma_start3A_921, %dma_start3A_922] : memref<1024x16xf32, #tpu.memory_space<vmem>> -> memref<128x16xf32, #tpu.memory_space<vmem>>
    %dma_start3A_924 = arith.constant 0 : i32
    %dma_start3A_925 = arith.constant 0 : i32
    %dma_start3A_926 = tpu.memref_slice %arg6[%add3A, %dma_start3A_924, %dma_start3A_925] : memref<32x1024x16xf32, #tpu.memory_space<hbm>> -> memref<1x1024x16xf32, #tpu.memory_space<hbm>>
    %dma_start3A_927 = tpu.memref_squeeze %dma_start3A_926 : memref<1x1024x16xf32, #tpu.memory_space<hbm>> -> memref<1024x16xf32, #tpu.memory_space<hbm>>
    %dma_start3A_928 = arith.constant 128 : i32
    %dma_start3A_929 = arith.constant 0 : i32
    %dma_start3A_930 = tpu.memref_slice %dma_start3A_927[%dma_start3A_928, %dma_start3A_929] : memref<1024x16xf32, #tpu.memory_space<hbm>> -> memref<128x16xf32, #tpu.memory_space<hbm>>
    %dma_start3A_931 = arith.constant 0 : i32
    %dma_start3A_932 = arith.constant 0 : i32
    %dma_start3A_933 = tpu.memref_slice %arg6[%add3A, %dma_start3A_931, %dma_start3A_932] : memref<32x1024x16xf32, #tpu.memory_space<hbm>> -> memref<1x1024x16xf32, #tpu.memory_space<hbm>>
    %dma_start3A_934 = tpu.memref_squeeze %dma_start3A_933 : memref<1x1024x16xf32, #tpu.memory_space<hbm>> -> memref<1024x16xf32, #tpu.memory_space<hbm>>
    %dma_start3A_935 = arith.constant 128 : i32
    %dma_start3A_936 = arith.constant 0 : i32
    %dma_start3A_937 = tpu.memref_slice %dma_start3A_934[%dma_start3A_935, %dma_start3A_936] : memref<1024x16xf32, #tpu.memory_space<hbm>> -> memref<128x16xf32, #tpu.memory_space<hbm>>
    %dma_start3A_938 = arith.constant 128 : i32
    %dma_start3A_939 = arith.constant 0 : i32
    %dma_start3A_940 = tpu.memref_slice %arg11[%dma_start3A_938, %dma_start3A_939] : memref<1024x16xf32, #tpu.memory_space<vmem>> -> memref<128x16xf32, #tpu.memory_space<vmem>>
    tpu.enqueue_dma source(%dma_start3A_940 : memref<128x16xf32, #tpu.memory_space<vmem>>) target(%dma_start3A_937 : memref<128x16xf32, #tpu.memory_space<hbm>>) target_semaphore(%arg13 : memref<!tpu.dma_semaphore, #tpu.memory_space<semaphore_mem>>)
    %dma_wait3A_941 = arith.constant 2 : i32
    %dma_wait3A_942 = arith.constant 256 : i32
    %dma_wait3A_943 = arith.constant 0 : i32
    %dma_wait3A_944 = tpu.memref_slice %arg11[%dma_wait3A_942, %dma_wait3A_943] : memref<1024x16xf32, #tpu.memory_space<vmem>> -> memref<128x16xf32, #tpu.memory_space<vmem>>
    %dma_wait3A_945 = arith.constant 0 : i32
    %dma_wait3A_946 = tpu.memref_slice %arg9[%dma_wait3A_941, %dma_wait3A_945] : memref<8x128xi32, #tpu.memory_space<vmem>> -> memref<1x128xi32, #tpu.memory_space<vmem>>
    %dma_wait3A_947 = tpu.memref_squeeze %dma_wait3A_946 : memref<1x128xi32, #tpu.memory_space<vmem>> -> memref<128xi32, #tpu.memory_space<vmem>>
    %dma_wait3A_948 = arith.constant 0 : i32
    %dma_wait3A_949 = arith.constant 0 : i32
    %dma_wait3A_950 = tpu.memref_slice %arg3[%dma_wait3A_948, %dma_wait3A_949] : memref<8000x16xf32, #tpu.memory_space<hbm>> -> memref<8000x16xf32, #tpu.memory_space<hbm>>
    tpu.wait_indirect_dma semaphore(%arg12 : memref<!tpu.dma_semaphore, #tpu.memory_space<semaphore_mem>>) src(%dma_wait3A_950 : memref<8000x16xf32, #tpu.memory_space<hbm>>) dst(%dma_wait3A_944 : memref<128x16xf32, #tpu.memory_space<vmem>>)
    %dma_start3A_951 = arith.constant 256 : i32
    %dma_start3A_952 = arith.constant 0 : i32
    %dma_start3A_953 = tpu.memref_slice %arg11[%dma_start3A_951, %dma_start3A_952] : memref<1024x16xf32, #tpu.memory_space<vmem>> -> memref<128x16xf32, #tpu.memory_space<vmem>>
    %dma_start3A_954 = arith.constant 0 : i32
    %dma_start3A_955 = arith.constant 0 : i32
    %dma_start3A_956 = tpu.memref_slice %arg6[%add3A, %dma_start3A_954, %dma_start3A_955] : memref<32x1024x16xf32, #tpu.memory_space<hbm>> -> memref<1x1024x16xf32, #tpu.memory_space<hbm>>
    %dma_start3A_957 = tpu.memref_squeeze %dma_start3A_956 : memref<1x1024x16xf32, #tpu.memory_space<hbm>> -> memref<1024x16xf32, #tpu.memory_space<hbm>>
    %dma_start3A_958 = arith.constant 256 : i32
    %dma_start3A_959 = arith.constant 0 : i32
    %dma_start3A_960 = tpu.memref_slice %dma_start3A_957[%dma_start3A_958, %dma_start3A_959] : memref<1024x16xf32, #tpu.memory_space<hbm>> -> memref<128x16xf32, #tpu.memory_space<hbm>>
    %dma_start3A_961 = arith.constant 0 : i32
    %dma_start3A_962 = arith.constant 0 : i32
    %dma_start3A_963 = tpu.memref_slice %arg6[%add3A, %dma_start3A_961, %dma_start3A_962] : memref<32x1024x16xf32, #tpu.memory_space<hbm>> -> memref<1x1024x16xf32, #tpu.memory_space<hbm>>
    %dma_start3A_964 = tpu.memref_squeeze %dma_start3A_963 : memref<1x1024x16xf32, #tpu.memory_space<hbm>> -> memref<1024x16xf32, #tpu.memory_space<hbm>>
    %dma_start3A_965 = arith.constant 256 : i32
    %dma_start3A_966 = arith.constant 0 : i32
    %dma_start3A_967 = tpu.memref_slice %dma_start3A_964[%dma_start3A_965, %dma_start3A_966] : memref<1024x16xf32, #tpu.memory_space<hbm>> -> memref<128x16xf32, #tpu.memory_space<hbm>>
    %dma_start3A_968 = arith.constant 256 : i32
    %dma_start3A_969 = arith.constant 0 : i32
    %dma_start3A_970 = tpu.memref_slice %arg11[%dma_start3A_968, %dma_start3A_969] : memref<1024x16xf32, #tpu.memory_space<vmem>> -> memref<128x16xf32, #tpu.memory_space<vmem>>
    tpu.enqueue_dma source(%dma_start3A_970 : memref<128x16xf32, #tpu.memory_space<vmem>>) target(%dma_start3A_967 : memref<128x16xf32, #tpu.memory_space<hbm>>) target_semaphore(%arg13 : memref<!tpu.dma_semaphore, #tpu.memory_space<semaphore_mem>>)
    %dma_wait3A_971 = arith.constant 3 : i32
    %dma_wait3A_972 = arith.constant 384 : i32
    %dma_wait3A_973 = arith.constant 0 : i32
    %dma_wait3A_974 = tpu.memref_slice %arg11[%dma_wait3A_972, %dma_wait3A_973] : memref<1024x16xf32, #tpu.memory_space<vmem>> -> memref<128x16xf32, #tpu.memory_space<vmem>>
    %dma_wait3A_975 = arith.constant 0 : i32
    %dma_wait3A_976 = tpu.memref_slice %arg9[%dma_wait3A_971, %dma_wait3A_975] : memref<8x128xi32, #tpu.memory_space<vmem>> -> memref<1x128xi32, #tpu.memory_space<vmem>>
    %dma_wait3A_977 = tpu.memref_squeeze %dma_wait3A_976 : memref<1x128xi32, #tpu.memory_space<vmem>> -> memref<128xi32, #tpu.memory_space<vmem>>
    %dma_wait3A_978 = arith.constant 0 : i32
    %dma_wait3A_979 = arith.constant 0 : i32
    %dma_wait3A_980 = tpu.memref_slice %arg3[%dma_wait3A_978, %dma_wait3A_979] : memref<8000x16xf32, #tpu.memory_space<hbm>> -> memref<8000x16xf32, #tpu.memory_space<hbm>>
    tpu.wait_indirect_dma semaphore(%arg12 : memref<!tpu.dma_semaphore, #tpu.memory_space<semaphore_mem>>) src(%dma_wait3A_980 : memref<8000x16xf32, #tpu.memory_space<hbm>>) dst(%dma_wait3A_974 : memref<128x16xf32, #tpu.memory_space<vmem>>)
    %dma_start3A_981 = arith.constant 384 : i32
    %dma_start3A_982 = arith.constant 0 : i32
    %dma_start3A_983 = tpu.memref_slice %arg11[%dma_start3A_981, %dma_start3A_982] : memref<1024x16xf32, #tpu.memory_space<vmem>> -> memref<128x16xf32, #tpu.memory_space<vmem>>
    %dma_start3A_984 = arith.constant 0 : i32
    %dma_start3A_985 = arith.constant 0 : i32
    %dma_start3A_986 = tpu.memref_slice %arg6[%add3A, %dma_start3A_984, %dma_start3A_985] : memref<32x1024x16xf32, #tpu.memory_space<hbm>> -> memref<1x1024x16xf32, #tpu.memory_space<hbm>>
    %dma_start3A_987 = tpu.memref_squeeze %dma_start3A_986 : memref<1x1024x16xf32, #tpu.memory_space<hbm>> -> memref<1024x16xf32, #tpu.memory_space<hbm>>
    %dma_start3A_988 = arith.constant 384 : i32
    %dma_start3A_989 = arith.constant 0 : i32
    %dma_start3A_990 = tpu.memref_slice %dma_start3A_987[%dma_start3A_988, %dma_start3A_989] : memref<1024x16xf32, #tpu.memory_space<hbm>> -> memref<128x16xf32, #tpu.memory_space<hbm>>
    %dma_start3A_991 = arith.constant 0 : i32
    %dma_start3A_992 = arith.constant 0 : i32
    %dma_start3A_993 = tpu.memref_slice %arg6[%add3A, %dma_start3A_991, %dma_start3A_992] : memref<32x1024x16xf32, #tpu.memory_space<hbm>> -> memref<1x1024x16xf32, #tpu.memory_space<hbm>>
    %dma_start3A_994 = tpu.memref_squeeze %dma_start3A_993 : memref<1x1024x16xf32, #tpu.memory_space<hbm>> -> memref<1024x16xf32, #tpu.memory_space<hbm>>
    %dma_start3A_995 = arith.constant 384 : i32
    %dma_start3A_996 = arith.constant 0 : i32
    %dma_start3A_997 = tpu.memref_slice %dma_start3A_994[%dma_start3A_995, %dma_start3A_996] : memref<1024x16xf32, #tpu.memory_space<hbm>> -> memref<128x16xf32, #tpu.memory_space<hbm>>
    %dma_start3A_998 = arith.constant 384 : i32
    %dma_start3A_999 = arith.constant 0 : i32
    %dma_start3A_1000 = tpu.memref_slice %arg11[%dma_start3A_998, %dma_start3A_999] : memref<1024x16xf32, #tpu.memory_space<vmem>> -> memref<128x16xf32, #tpu.memory_space<vmem>>
    tpu.enqueue_dma source(%dma_start3A_1000 : memref<128x16xf32, #tpu.memory_space<vmem>>) target(%dma_start3A_997 : memref<128x16xf32, #tpu.memory_space<hbm>>) target_semaphore(%arg13 : memref<!tpu.dma_semaphore, #tpu.memory_space<semaphore_mem>>)
    %dma_wait3A_1001 = arith.constant 4 : i32
    %dma_wait3A_1002 = arith.constant 512 : i32
    %dma_wait3A_1003 = arith.constant 0 : i32
    %dma_wait3A_1004 = tpu.memref_slice %arg11[%dma_wait3A_1002, %dma_wait3A_1003] : memref<1024x16xf32, #tpu.memory_space<vmem>> -> memref<128x16xf32, #tpu.memory_space<vmem>>
    %dma_wait3A_1005 = arith.constant 0 : i32
    %dma_wait3A_1006 = tpu.memref_slice %arg9[%dma_wait3A_1001, %dma_wait3A_1005] : memref<8x128xi32, #tpu.memory_space<vmem>> -> memref<1x128xi32, #tpu.memory_space<vmem>>
    %dma_wait3A_1007 = tpu.memref_squeeze %dma_wait3A_1006 : memref<1x128xi32, #tpu.memory_space<vmem>> -> memref<128xi32, #tpu.memory_space<vmem>>
    %dma_wait3A_1008 = arith.constant 0 : i32
    %dma_wait3A_1009 = arith.constant 0 : i32
    %dma_wait3A_1010 = tpu.memref_slice %arg3[%dma_wait3A_1008, %dma_wait3A_1009] : memref<8000x16xf32, #tpu.memory_space<hbm>> -> memref<8000x16xf32, #tpu.memory_space<hbm>>
    tpu.wait_indirect_dma semaphore(%arg12 : memref<!tpu.dma_semaphore, #tpu.memory_space<semaphore_mem>>) src(%dma_wait3A_1010 : memref<8000x16xf32, #tpu.memory_space<hbm>>) dst(%dma_wait3A_1004 : memref<128x16xf32, #tpu.memory_space<vmem>>)
    %dma_start3A_1011 = arith.constant 512 : i32
    %dma_start3A_1012 = arith.constant 0 : i32
    %dma_start3A_1013 = tpu.memref_slice %arg11[%dma_start3A_1011, %dma_start3A_1012] : memref<1024x16xf32, #tpu.memory_space<vmem>> -> memref<128x16xf32, #tpu.memory_space<vmem>>
    %dma_start3A_1014 = arith.constant 0 : i32
    %dma_start3A_1015 = arith.constant 0 : i32
    %dma_start3A_1016 = tpu.memref_slice %arg6[%add3A, %dma_start3A_1014, %dma_start3A_1015] : memref<32x1024x16xf32, #tpu.memory_space<hbm>> -> memref<1x1024x16xf32, #tpu.memory_space<hbm>>
    %dma_start3A_1017 = tpu.memref_squeeze %dma_start3A_1016 : memref<1x1024x16xf32, #tpu.memory_space<hbm>> -> memref<1024x16xf32, #tpu.memory_space<hbm>>
    %dma_start3A_1018 = arith.constant 512 : i32
    %dma_start3A_1019 = arith.constant 0 : i32
    %dma_start3A_1020 = tpu.memref_slice %dma_start3A_1017[%dma_start3A_1018, %dma_start3A_1019] : memref<1024x16xf32, #tpu.memory_space<hbm>> -> memref<128x16xf32, #tpu.memory_space<hbm>>
    %dma_start3A_1021 = arith.constant 0 : i32
    %dma_start3A_1022 = arith.constant 0 : i32
    %dma_start3A_1023 = tpu.memref_slice %arg6[%add3A, %dma_start3A_1021, %dma_start3A_1022] : memref<32x1024x16xf32, #tpu.memory_space<hbm>> -> memref<1x1024x16xf32, #tpu.memory_space<hbm>>
    %dma_start3A_1024 = tpu.memref_squeeze %dma_start3A_1023 : memref<1x1024x16xf32, #tpu.memory_space<hbm>> -> memref<1024x16xf32, #tpu.memory_space<hbm>>
    %dma_start3A_1025 = arith.constant 512 : i32
    %dma_start3A_1026 = arith.constant 0 : i32
    %dma_start3A_1027 = tpu.memref_slice %dma_start3A_1024[%dma_start3A_1025, %dma_start3A_1026] : memref<1024x16xf32, #tpu.memory_space<hbm>> -> memref<128x16xf32, #tpu.memory_space<hbm>>
    %dma_start3A_1028 = arith.constant 512 : i32
    %dma_start3A_1029 = arith.constant 0 : i32
    %dma_start3A_1030 = tpu.memref_slice %arg11[%dma_start3A_1028, %dma_start3A_1029] : memref<1024x16xf32, #tpu.memory_space<vmem>> -> memref<128x16xf32, #tpu.memory_space<vmem>>
    tpu.enqueue_dma source(%dma_start3A_1030 : memref<128x16xf32, #tpu.memory_space<vmem>>) target(%dma_start3A_1027 : memref<128x16xf32, #tpu.memory_space<hbm>>) target_semaphore(%arg13 : memref<!tpu.dma_semaphore, #tpu.memory_space<semaphore_mem>>)
    %dma_wait3A_1031 = arith.constant 5 : i32
    %dma_wait3A_1032 = arith.constant 640 : i32
    %dma_wait3A_1033 = arith.constant 0 : i32
    %dma_wait3A_1034 = tpu.memref_slice %arg11[%dma_wait3A_1032, %dma_wait3A_1033] : memref<1024x16xf32, #tpu.memory_space<vmem>> -> memref<128x16xf32, #tpu.memory_space<vmem>>
    %dma_wait3A_1035 = arith.constant 0 : i32
    %dma_wait3A_1036 = tpu.memref_slice %arg9[%dma_wait3A_1031, %dma_wait3A_1035] : memref<8x128xi32, #tpu.memory_space<vmem>> -> memref<1x128xi32, #tpu.memory_space<vmem>>
    %dma_wait3A_1037 = tpu.memref_squeeze %dma_wait3A_1036 : memref<1x128xi32, #tpu.memory_space<vmem>> -> memref<128xi32, #tpu.memory_space<vmem>>
    %dma_wait3A_1038 = arith.constant 0 : i32
    %dma_wait3A_1039 = arith.constant 0 : i32
    %dma_wait3A_1040 = tpu.memref_slice %arg3[%dma_wait3A_1038, %dma_wait3A_1039] : memref<8000x16xf32, #tpu.memory_space<hbm>> -> memref<8000x16xf32, #tpu.memory_space<hbm>>
    tpu.wait_indirect_dma semaphore(%arg12 : memref<!tpu.dma_semaphore, #tpu.memory_space<semaphore_mem>>) src(%dma_wait3A_1040 : memref<8000x16xf32, #tpu.memory_space<hbm>>) dst(%dma_wait3A_1034 : memref<128x16xf32, #tpu.memory_space<vmem>>)
    %dma_start3A_1041 = arith.constant 640 : i32
    %dma_start3A_1042 = arith.constant 0 : i32
    %dma_start3A_1043 = tpu.memref_slice %arg11[%dma_start3A_1041, %dma_start3A_1042] : memref<1024x16xf32, #tpu.memory_space<vmem>> -> memref<128x16xf32, #tpu.memory_space<vmem>>
    %dma_start3A_1044 = arith.constant 0 : i32
    %dma_start3A_1045 = arith.constant 0 : i32
    %dma_start3A_1046 = tpu.memref_slice %arg6[%add3A, %dma_start3A_1044, %dma_start3A_1045] : memref<32x1024x16xf32, #tpu.memory_space<hbm>> -> memref<1x1024x16xf32, #tpu.memory_space<hbm>>
    %dma_start3A_1047 = tpu.memref_squeeze %dma_start3A_1046 : memref<1x1024x16xf32, #tpu.memory_space<hbm>> -> memref<1024x16xf32, #tpu.memory_space<hbm>>
    %dma_start3A_1048 = arith.constant 640 : i32
    %dma_start3A_1049 = arith.constant 0 : i32
    %dma_start3A_1050 = tpu.memref_slice %dma_start3A_1047[%dma_start3A_1048, %dma_start3A_1049] : memref<1024x16xf32, #tpu.memory_space<hbm>> -> memref<128x16xf32, #tpu.memory_space<hbm>>
    %dma_start3A_1051 = arith.constant 0 : i32
    %dma_start3A_1052 = arith.constant 0 : i32
    %dma_start3A_1053 = tpu.memref_slice %arg6[%add3A, %dma_start3A_1051, %dma_start3A_1052] : memref<32x1024x16xf32, #tpu.memory_space<hbm>> -> memref<1x1024x16xf32, #tpu.memory_space<hbm>>
    %dma_start3A_1054 = tpu.memref_squeeze %dma_start3A_1053 : memref<1x1024x16xf32, #tpu.memory_space<hbm>> -> memref<1024x16xf32, #tpu.memory_space<hbm>>
    %dma_start3A_1055 = arith.constant 640 : i32
    %dma_start3A_1056 = arith.constant 0 : i32
    %dma_start3A_1057 = tpu.memref_slice %dma_start3A_1054[%dma_start3A_1055, %dma_start3A_1056] : memref<1024x16xf32, #tpu.memory_space<hbm>> -> memref<128x16xf32, #tpu.memory_space<hbm>>
    %dma_start3A_1058 = arith.constant 640 : i32
    %dma_start3A_1059 = arith.constant 0 : i32
    %dma_start3A_1060 = tpu.memref_slice %arg11[%dma_start3A_1058, %dma_start3A_1059] : memref<1024x16xf32, #tpu.memory_space<vmem>> -> memref<128x16xf32, #tpu.memory_space<vmem>>
    tpu.enqueue_dma source(%dma_start3A_1060 : memref<128x16xf32, #tpu.memory_space<vmem>>) target(%dma_start3A_1057 : memref<128x16xf32, #tpu.memory_space<hbm>>) target_semaphore(%arg13 : memref<!tpu.dma_semaphore, #tpu.memory_space<semaphore_mem>>)
    %dma_wait3A_1061 = arith.constant 6 : i32
    %dma_wait3A_1062 = arith.constant 768 : i32
    %dma_wait3A_1063 = arith.constant 0 : i32
    %dma_wait3A_1064 = tpu.memref_slice %arg11[%dma_wait3A_1062, %dma_wait3A_1063] : memref<1024x16xf32, #tpu.memory_space<vmem>> -> memref<128x16xf32, #tpu.memory_space<vmem>>
    %dma_wait3A_1065 = arith.constant 0 : i32
    %dma_wait3A_1066 = tpu.memref_slice %arg9[%dma_wait3A_1061, %dma_wait3A_1065] : memref<8x128xi32, #tpu.memory_space<vmem>> -> memref<1x128xi32, #tpu.memory_space<vmem>>
    %dma_wait3A_1067 = tpu.memref_squeeze %dma_wait3A_1066 : memref<1x128xi32, #tpu.memory_space<vmem>> -> memref<128xi32, #tpu.memory_space<vmem>>
    %dma_wait3A_1068 = arith.constant 0 : i32
    %dma_wait3A_1069 = arith.constant 0 : i32
    %dma_wait3A_1070 = tpu.memref_slice %arg3[%dma_wait3A_1068, %dma_wait3A_1069] : memref<8000x16xf32, #tpu.memory_space<hbm>> -> memref<8000x16xf32, #tpu.memory_space<hbm>>
    tpu.wait_indirect_dma semaphore(%arg12 : memref<!tpu.dma_semaphore, #tpu.memory_space<semaphore_mem>>) src(%dma_wait3A_1070 : memref<8000x16xf32, #tpu.memory_space<hbm>>) dst(%dma_wait3A_1064 : memref<128x16xf32, #tpu.memory_space<vmem>>)
    %dma_start3A_1071 = arith.constant 768 : i32
    %dma_start3A_1072 = arith.constant 0 : i32
    %dma_start3A_1073 = tpu.memref_slice %arg11[%dma_start3A_1071, %dma_start3A_1072] : memref<1024x16xf32, #tpu.memory_space<vmem>> -> memref<128x16xf32, #tpu.memory_space<vmem>>
    %dma_start3A_1074 = arith.constant 0 : i32
    %dma_start3A_1075 = arith.constant 0 : i32
    %dma_start3A_1076 = tpu.memref_slice %arg6[%add3A, %dma_start3A_1074, %dma_start3A_1075] : memref<32x1024x16xf32, #tpu.memory_space<hbm>> -> memref<1x1024x16xf32, #tpu.memory_space<hbm>>
    %dma_start3A_1077 = tpu.memref_squeeze %dma_start3A_1076 : memref<1x1024x16xf32, #tpu.memory_space<hbm>> -> memref<1024x16xf32, #tpu.memory_space<hbm>>
    %dma_start3A_1078 = arith.constant 768 : i32
    %dma_start3A_1079 = arith.constant 0 : i32
    %dma_start3A_1080 = tpu.memref_slice %dma_start3A_1077[%dma_start3A_1078, %dma_start3A_1079] : memref<1024x16xf32, #tpu.memory_space<hbm>> -> memref<128x16xf32, #tpu.memory_space<hbm>>
    %dma_start3A_1081 = arith.constant 0 : i32
    %dma_start3A_1082 = arith.constant 0 : i32
    %dma_start3A_1083 = tpu.memref_slice %arg6[%add3A, %dma_start3A_1081, %dma_start3A_1082] : memref<32x1024x16xf32, #tpu.memory_space<hbm>> -> memref<1x1024x16xf32, #tpu.memory_space<hbm>>
    %dma_start3A_1084 = tpu.memref_squeeze %dma_start3A_1083 : memref<1x1024x16xf32, #tpu.memory_space<hbm>> -> memref<1024x16xf32, #tpu.memory_space<hbm>>
    %dma_start3A_1085 = arith.constant 768 : i32
    %dma_start3A_1086 = arith.constant 0 : i32
    %dma_start3A_1087 = tpu.memref_slice %dma_start3A_1084[%dma_start3A_1085, %dma_start3A_1086] : memref<1024x16xf32, #tpu.memory_space<hbm>> -> memref<128x16xf32, #tpu.memory_space<hbm>>
    %dma_start3A_1088 = arith.constant 768 : i32
    %dma_start3A_1089 = arith.constant 0 : i32
    %dma_start3A_1090 = tpu.memref_slice %arg11[%dma_start3A_1088, %dma_start3A_1089] : memref<1024x16xf32, #tpu.memory_space<vmem>> -> memref<128x16xf32, #tpu.memory_space<vmem>>
    tpu.enqueue_dma source(%dma_start3A_1090 : memref<128x16xf32, #tpu.memory_space<vmem>>) target(%dma_start3A_1087 : memref<128x16xf32, #tpu.memory_space<hbm>>) target_semaphore(%arg13 : memref<!tpu.dma_semaphore, #tpu.memory_space<semaphore_mem>>)
    %dma_wait3A_1091 = arith.constant 7 : i32
    %dma_wait3A_1092 = arith.constant 896 : i32
    %dma_wait3A_1093 = arith.constant 0 : i32
    %dma_wait3A_1094 = tpu.memref_slice %arg11[%dma_wait3A_1092, %dma_wait3A_1093] : memref<1024x16xf32, #tpu.memory_space<vmem>> -> memref<128x16xf32, #tpu.memory_space<vmem>>
    %dma_wait3A_1095 = arith.constant 0 : i32
    %dma_wait3A_1096 = tpu.memref_slice %arg9[%dma_wait3A_1091, %dma_wait3A_1095] : memref<8x128xi32, #tpu.memory_space<vmem>> -> memref<1x128xi32, #tpu.memory_space<vmem>>
    %dma_wait3A_1097 = tpu.memref_squeeze %dma_wait3A_1096 : memref<1x128xi32, #tpu.memory_space<vmem>> -> memref<128xi32, #tpu.memory_space<vmem>>
    %dma_wait3A_1098 = arith.constant 0 : i32
    %dma_wait3A_1099 = arith.constant 0 : i32
    %dma_wait3A_1100 = tpu.memref_slice %arg3[%dma_wait3A_1098, %dma_wait3A_1099] : memref<8000x16xf32, #tpu.memory_space<hbm>> -> memref<8000x16xf32, #tpu.memory_space<hbm>>
    tpu.wait_indirect_dma semaphore(%arg12 : memref<!tpu.dma_semaphore, #tpu.memory_space<semaphore_mem>>) src(%dma_wait3A_1100 : memref<8000x16xf32, #tpu.memory_space<hbm>>) dst(%dma_wait3A_1094 : memref<128x16xf32, #tpu.memory_space<vmem>>)
    %dma_start3A_1101 = arith.constant 896 : i32
    %dma_start3A_1102 = arith.constant 0 : i32
    %dma_start3A_1103 = tpu.memref_slice %arg11[%dma_start3A_1101, %dma_start3A_1102] : memref<1024x16xf32, #tpu.memory_space<vmem>> -> memref<128x16xf32, #tpu.memory_space<vmem>>
    %dma_start3A_1104 = arith.constant 0 : i32
    %dma_start3A_1105 = arith.constant 0 : i32
    %dma_start3A_1106 = tpu.memref_slice %arg6[%add3A, %dma_start3A_1104, %dma_start3A_1105] : memref<32x1024x16xf32, #tpu.memory_space<hbm>> -> memref<1x1024x16xf32, #tpu.memory_space<hbm>>
    %dma_start3A_1107 = tpu.memref_squeeze %dma_start3A_1106 : memref<1x1024x16xf32, #tpu.memory_space<hbm>> -> memref<1024x16xf32, #tpu.memory_space<hbm>>
    %dma_start3A_1108 = arith.constant 896 : i32
    %dma_start3A_1109 = arith.constant 0 : i32
    %dma_start3A_1110 = tpu.memref_slice %dma_start3A_1107[%dma_start3A_1108, %dma_start3A_1109] : memref<1024x16xf32, #tpu.memory_space<hbm>> -> memref<128x16xf32, #tpu.memory_space<hbm>>
    %dma_start3A_1111 = arith.constant 0 : i32
    %dma_start3A_1112 = arith.constant 0 : i32
    %dma_start3A_1113 = tpu.memref_slice %arg6[%add3A, %dma_start3A_1111, %dma_start3A_1112] : memref<32x1024x16xf32, #tpu.memory_space<hbm>> -> memref<1x1024x16xf32, #tpu.memory_space<hbm>>
    %dma_start3A_1114 = tpu.memref_squeeze %dma_start3A_1113 : memref<1x1024x16xf32, #tpu.memory_space<hbm>> -> memref<1024x16xf32, #tpu.memory_space<hbm>>
    %dma_start3A_1115 = arith.constant 896 : i32
    %dma_start3A_1116 = arith.constant 0 : i32
    %dma_start3A_1117 = tpu.memref_slice %dma_start3A_1114[%dma_start3A_1115, %dma_start3A_1116] : memref<1024x16xf32, #tpu.memory_space<hbm>> -> memref<128x16xf32, #tpu.memory_space<hbm>>
    %dma_start3A_1118 = arith.constant 896 : i32
    %dma_start3A_1119 = arith.constant 0 : i32
    %dma_start3A_1120 = tpu.memref_slice %arg11[%dma_start3A_1118, %dma_start3A_1119] : memref<1024x16xf32, #tpu.memory_space<vmem>> -> memref<128x16xf32, #tpu.memory_space<vmem>>
    tpu.enqueue_dma source(%dma_start3A_1120 : memref<128x16xf32, #tpu.memory_space<vmem>>) target(%dma_start3A_1117 : memref<128x16xf32, #tpu.memory_space<hbm>>) target_semaphore(%arg13 : memref<!tpu.dma_semaphore, #tpu.memory_space<semaphore_mem>>)
    %dma_wait3A_1121 = arith.constant 0 : i32
    %dma_wait3A_1122 = tpu.memref_slice %arg7[%mul3A_2, %dma_wait3A_1121] : memref<4096x128xf32, #tpu.memory_space<hbm>> -> memref<128x32xf32, #tpu.memory_space<hbm>>
    %dma_wait3A_1123 = arith.constant 0 : i32
    %dma_wait3A_1124 = tpu.memref_slice %arg7[%mul3A_2, %dma_wait3A_1123] : memref<4096x128xf32, #tpu.memory_space<hbm>> -> memref<128x32xf32, #tpu.memory_space<hbm>>
    tpu.wait_dma2 semaphore(%arg13 : memref<!tpu.dma_semaphore, #tpu.memory_space<semaphore_mem>>) src(%arg10 : memref<128x32xf32, #tpu.memory_space<vmem>>) dst(%dma_wait3A_1124 : memref<128x32xf32, #tpu.memory_space<hbm>>)
    %dma_wait3A_1125 = arith.constant 0 : i32
    %dma_wait3A_1126 = arith.constant 0 : i32
    %dma_wait3A_1127 = tpu.memref_slice %arg11[%dma_wait3A_1125, %dma_wait3A_1126] : memref<1024x16xf32, #tpu.memory_space<vmem>> -> memref<128x16xf32, #tpu.memory_space<vmem>>
    %dma_wait3A_1128 = arith.constant 0 : i32
    %dma_wait3A_1129 = arith.constant 0 : i32
    %dma_wait3A_1130 = tpu.memref_slice %arg6[%add3A, %dma_wait3A_1128, %dma_wait3A_1129] : memref<32x1024x16xf32, #tpu.memory_space<hbm>> -> memref<1x1024x16xf32, #tpu.memory_space<hbm>>
    %dma_wait3A_1131 = tpu.memref_squeeze %dma_wait3A_1130 : memref<1x1024x16xf32, #tpu.memory_space<hbm>> -> memref<1024x16xf32, #tpu.memory_space<hbm>>
    %dma_wait3A_1132 = arith.constant 0 : i32
    %dma_wait3A_1133 = arith.constant 0 : i32
    %dma_wait3A_1134 = tpu.memref_slice %dma_wait3A_1131[%dma_wait3A_1132, %dma_wait3A_1133] : memref<1024x16xf32, #tpu.memory_space<hbm>> -> memref<128x16xf32, #tpu.memory_space<hbm>>
    %dma_wait3A_1135 = arith.constant 0 : i32
    %dma_wait3A_1136 = arith.constant 0 : i32
    %dma_wait3A_1137 = tpu.memref_slice %arg6[%add3A, %dma_wait3A_1135, %dma_wait3A_1136] : memref<32x1024x16xf32, #tpu.memory_space<hbm>> -> memref<1x1024x16xf32, #tpu.memory_space<hbm>>
    %dma_wait3A_1138 = tpu.memref_squeeze %dma_wait3A_1137 : memref<1x1024x16xf32, #tpu.memory_space<hbm>> -> memref<1024x16xf32, #tpu.memory_space<hbm>>
    %dma_wait3A_1139 = arith.constant 0 : i32
    %dma_wait3A_1140 = arith.constant 0 : i32
    %dma_wait3A_1141 = tpu.memref_slice %dma_wait3A_1138[%dma_wait3A_1139, %dma_wait3A_1140] : memref<1024x16xf32, #tpu.memory_space<hbm>> -> memref<128x16xf32, #tpu.memory_space<hbm>>
    %dma_wait3A_1142 = arith.constant 0 : i32
    %dma_wait3A_1143 = arith.constant 0 : i32
    %dma_wait3A_1144 = tpu.memref_slice %arg11[%dma_wait3A_1142, %dma_wait3A_1143] : memref<1024x16xf32, #tpu.memory_space<vmem>> -> memref<128x16xf32, #tpu.memory_space<vmem>>
    tpu.wait_dma2 semaphore(%arg13 : memref<!tpu.dma_semaphore, #tpu.memory_space<semaphore_mem>>) src(%dma_wait3A_1144 : memref<128x16xf32, #tpu.memory_space<vmem>>) dst(%dma_wait3A_1141 : memref<128x16xf32, #tpu.memory_space<hbm>>)
    %dma_wait3A_1145 = arith.constant 128 : i32
    %dma_wait3A_1146 = arith.constant 0 : i32
    %dma_wait3A_1147 = tpu.memref_slice %arg11[%dma_wait3A_1145, %dma_wait3A_1146] : memref<1024x16xf32, #tpu.memory_space<vmem>> -> memref<128x16xf32, #tpu.memory_space<vmem>>
    %dma_wait3A_1148 = arith.constant 0 : i32
    %dma_wait3A_1149 = arith.constant 0 : i32
    %dma_wait3A_1150 = tpu.memref_slice %arg6[%add3A, %dma_wait3A_1148, %dma_wait3A_1149] : memref<32x1024x16xf32, #tpu.memory_space<hbm>> -> memref<1x1024x16xf32, #tpu.memory_space<hbm>>
    %dma_wait3A_1151 = tpu.memref_squeeze %dma_wait3A_1150 : memref<1x1024x16xf32, #tpu.memory_space<hbm>> -> memref<1024x16xf32, #tpu.memory_space<hbm>>
    %dma_wait3A_1152 = arith.constant 128 : i32
    %dma_wait3A_1153 = arith.constant 0 : i32
    %dma_wait3A_1154 = tpu.memref_slice %dma_wait3A_1151[%dma_wait3A_1152, %dma_wait3A_1153] : memref<1024x16xf32, #tpu.memory_space<hbm>> -> memref<128x16xf32, #tpu.memory_space<hbm>>
    %dma_wait3A_1155 = arith.constant 0 : i32
    %dma_wait3A_1156 = arith.constant 0 : i32
    %dma_wait3A_1157 = tpu.memref_slice %arg6[%add3A, %dma_wait3A_1155, %dma_wait3A_1156] : memref<32x1024x16xf32, #tpu.memory_space<hbm>> -> memref<1x1024x16xf32, #tpu.memory_space<hbm>>
    %dma_wait3A_1158 = tpu.memref_squeeze %dma_wait3A_1157 : memref<1x1024x16xf32, #tpu.memory_space<hbm>> -> memref<1024x16xf32, #tpu.memory_space<hbm>>
    %dma_wait3A_1159 = arith.constant 128 : i32
    %dma_wait3A_1160 = arith.constant 0 : i32
    %dma_wait3A_1161 = tpu.memref_slice %dma_wait3A_1158[%dma_wait3A_1159, %dma_wait3A_1160] : memref<1024x16xf32, #tpu.memory_space<hbm>> -> memref<128x16xf32, #tpu.memory_space<hbm>>
    %dma_wait3A_1162 = arith.constant 128 : i32
    %dma_wait3A_1163 = arith.constant 0 : i32
    %dma_wait3A_1164 = tpu.memref_slice %arg11[%dma_wait3A_1162, %dma_wait3A_1163] : memref<1024x16xf32, #tpu.memory_space<vmem>> -> memref<128x16xf32, #tpu.memory_space<vmem>>
    tpu.wait_dma2 semaphore(%arg13 : memref<!tpu.dma_semaphore, #tpu.memory_space<semaphore_mem>>) src(%dma_wait3A_1164 : memref<128x16xf32, #tpu.memory_space<vmem>>) dst(%dma_wait3A_1161 : memref<128x16xf32, #tpu.memory_space<hbm>>)
    %dma_wait3A_1165 = arith.constant 256 : i32
    %dma_wait3A_1166 = arith.constant 0 : i32
    %dma_wait3A_1167 = tpu.memref_slice %arg11[%dma_wait3A_1165, %dma_wait3A_1166] : memref<1024x16xf32, #tpu.memory_space<vmem>> -> memref<128x16xf32, #tpu.memory_space<vmem>>
    %dma_wait3A_1168 = arith.constant 0 : i32
    %dma_wait3A_1169 = arith.constant 0 : i32
    %dma_wait3A_1170 = tpu.memref_slice %arg6[%add3A, %dma_wait3A_1168, %dma_wait3A_1169] : memref<32x1024x16xf32, #tpu.memory_space<hbm>> -> memref<1x1024x16xf32, #tpu.memory_space<hbm>>
    %dma_wait3A_1171 = tpu.memref_squeeze %dma_wait3A_1170 : memref<1x1024x16xf32, #tpu.memory_space<hbm>> -> memref<1024x16xf32, #tpu.memory_space<hbm>>
    %dma_wait3A_1172 = arith.constant 256 : i32
    %dma_wait3A_1173 = arith.constant 0 : i32
    %dma_wait3A_1174 = tpu.memref_slice %dma_wait3A_1171[%dma_wait3A_1172, %dma_wait3A_1173] : memref<1024x16xf32, #tpu.memory_space<hbm>> -> memref<128x16xf32, #tpu.memory_space<hbm>>
    %dma_wait3A_1175 = arith.constant 0 : i32
    %dma_wait3A_1176 = arith.constant 0 : i32
    %dma_wait3A_1177 = tpu.memref_slice %arg6[%add3A, %dma_wait3A_1175, %dma_wait3A_1176] : memref<32x1024x16xf32, #tpu.memory_space<hbm>> -> memref<1x1024x16xf32, #tpu.memory_space<hbm>>
    %dma_wait3A_1178 = tpu.memref_squeeze %dma_wait3A_1177 : memref<1x1024x16xf32, #tpu.memory_space<hbm>> -> memref<1024x16xf32, #tpu.memory_space<hbm>>
    %dma_wait3A_1179 = arith.constant 256 : i32
    %dma_wait3A_1180 = arith.constant 0 : i32
    %dma_wait3A_1181 = tpu.memref_slice %dma_wait3A_1178[%dma_wait3A_1179, %dma_wait3A_1180] : memref<1024x16xf32, #tpu.memory_space<hbm>> -> memref<128x16xf32, #tpu.memory_space<hbm>>
    %dma_wait3A_1182 = arith.constant 256 : i32
    %dma_wait3A_1183 = arith.constant 0 : i32
    %dma_wait3A_1184 = tpu.memref_slice %arg11[%dma_wait3A_1182, %dma_wait3A_1183] : memref<1024x16xf32, #tpu.memory_space<vmem>> -> memref<128x16xf32, #tpu.memory_space<vmem>>
    tpu.wait_dma2 semaphore(%arg13 : memref<!tpu.dma_semaphore, #tpu.memory_space<semaphore_mem>>) src(%dma_wait3A_1184 : memref<128x16xf32, #tpu.memory_space<vmem>>) dst(%dma_wait3A_1181 : memref<128x16xf32, #tpu.memory_space<hbm>>)
    %dma_wait3A_1185 = arith.constant 384 : i32
    %dma_wait3A_1186 = arith.constant 0 : i32
    %dma_wait3A_1187 = tpu.memref_slice %arg11[%dma_wait3A_1185, %dma_wait3A_1186] : memref<1024x16xf32, #tpu.memory_space<vmem>> -> memref<128x16xf32, #tpu.memory_space<vmem>>
    %dma_wait3A_1188 = arith.constant 0 : i32
    %dma_wait3A_1189 = arith.constant 0 : i32
    %dma_wait3A_1190 = tpu.memref_slice %arg6[%add3A, %dma_wait3A_1188, %dma_wait3A_1189] : memref<32x1024x16xf32, #tpu.memory_space<hbm>> -> memref<1x1024x16xf32, #tpu.memory_space<hbm>>
    %dma_wait3A_1191 = tpu.memref_squeeze %dma_wait3A_1190 : memref<1x1024x16xf32, #tpu.memory_space<hbm>> -> memref<1024x16xf32, #tpu.memory_space<hbm>>
    %dma_wait3A_1192 = arith.constant 384 : i32
    %dma_wait3A_1193 = arith.constant 0 : i32
    %dma_wait3A_1194 = tpu.memref_slice %dma_wait3A_1191[%dma_wait3A_1192, %dma_wait3A_1193] : memref<1024x16xf32, #tpu.memory_space<hbm>> -> memref<128x16xf32, #tpu.memory_space<hbm>>
    %dma_wait3A_1195 = arith.constant 0 : i32
    %dma_wait3A_1196 = arith.constant 0 : i32
    %dma_wait3A_1197 = tpu.memref_slice %arg6[%add3A, %dma_wait3A_1195, %dma_wait3A_1196] : memref<32x1024x16xf32, #tpu.memory_space<hbm>> -> memref<1x1024x16xf32, #tpu.memory_space<hbm>>
    %dma_wait3A_1198 = tpu.memref_squeeze %dma_wait3A_1197 : memref<1x1024x16xf32, #tpu.memory_space<hbm>> -> memref<1024x16xf32, #tpu.memory_space<hbm>>
    %dma_wait3A_1199 = arith.constant 384 : i32
    %dma_wait3A_1200 = arith.constant 0 : i32
    %dma_wait3A_1201 = tpu.memref_slice %dma_wait3A_1198[%dma_wait3A_1199, %dma_wait3A_1200] : memref<1024x16xf32, #tpu.memory_space<hbm>> -> memref<128x16xf32, #tpu.memory_space<hbm>>
    %dma_wait3A_1202 = arith.constant 384 : i32
    %dma_wait3A_1203 = arith.constant 0 : i32
    %dma_wait3A_1204 = tpu.memref_slice %arg11[%dma_wait3A_1202, %dma_wait3A_1203] : memref<1024x16xf32, #tpu.memory_space<vmem>> -> memref<128x16xf32, #tpu.memory_space<vmem>>
    tpu.wait_dma2 semaphore(%arg13 : memref<!tpu.dma_semaphore, #tpu.memory_space<semaphore_mem>>) src(%dma_wait3A_1204 : memref<128x16xf32, #tpu.memory_space<vmem>>) dst(%dma_wait3A_1201 : memref<128x16xf32, #tpu.memory_space<hbm>>)
    %dma_wait3A_1205 = arith.constant 512 : i32
    %dma_wait3A_1206 = arith.constant 0 : i32
    %dma_wait3A_1207 = tpu.memref_slice %arg11[%dma_wait3A_1205, %dma_wait3A_1206] : memref<1024x16xf32, #tpu.memory_space<vmem>> -> memref<128x16xf32, #tpu.memory_space<vmem>>
    %dma_wait3A_1208 = arith.constant 0 : i32
    %dma_wait3A_1209 = arith.constant 0 : i32
    %dma_wait3A_1210 = tpu.memref_slice %arg6[%add3A, %dma_wait3A_1208, %dma_wait3A_1209] : memref<32x1024x16xf32, #tpu.memory_space<hbm>> -> memref<1x1024x16xf32, #tpu.memory_space<hbm>>
    %dma_wait3A_1211 = tpu.memref_squeeze %dma_wait3A_1210 : memref<1x1024x16xf32, #tpu.memory_space<hbm>> -> memref<1024x16xf32, #tpu.memory_space<hbm>>
    %dma_wait3A_1212 = arith.constant 512 : i32
    %dma_wait3A_1213 = arith.constant 0 : i32
    %dma_wait3A_1214 = tpu.memref_slice %dma_wait3A_1211[%dma_wait3A_1212, %dma_wait3A_1213] : memref<1024x16xf32, #tpu.memory_space<hbm>> -> memref<128x16xf32, #tpu.memory_space<hbm>>
    %dma_wait3A_1215 = arith.constant 0 : i32
    %dma_wait3A_1216 = arith.constant 0 : i32
    %dma_wait3A_1217 = tpu.memref_slice %arg6[%add3A, %dma_wait3A_1215, %dma_wait3A_1216] : memref<32x1024x16xf32, #tpu.memory_space<hbm>> -> memref<1x1024x16xf32, #tpu.memory_space<hbm>>
    %dma_wait3A_1218 = tpu.memref_squeeze %dma_wait3A_1217 : memref<1x1024x16xf32, #tpu.memory_space<hbm>> -> memref<1024x16xf32, #tpu.memory_space<hbm>>
    %dma_wait3A_1219 = arith.constant 512 : i32
    %dma_wait3A_1220 = arith.constant 0 : i32
    %dma_wait3A_1221 = tpu.memref_slice %dma_wait3A_1218[%dma_wait3A_1219, %dma_wait3A_1220] : memref<1024x16xf32, #tpu.memory_space<hbm>> -> memref<128x16xf32, #tpu.memory_space<hbm>>
    %dma_wait3A_1222 = arith.constant 512 : i32
    %dma_wait3A_1223 = arith.constant 0 : i32
    %dma_wait3A_1224 = tpu.memref_slice %arg11[%dma_wait3A_1222, %dma_wait3A_1223] : memref<1024x16xf32, #tpu.memory_space<vmem>> -> memref<128x16xf32, #tpu.memory_space<vmem>>
    tpu.wait_dma2 semaphore(%arg13 : memref<!tpu.dma_semaphore, #tpu.memory_space<semaphore_mem>>) src(%dma_wait3A_1224 : memref<128x16xf32, #tpu.memory_space<vmem>>) dst(%dma_wait3A_1221 : memref<128x16xf32, #tpu.memory_space<hbm>>)
    %dma_wait3A_1225 = arith.constant 640 : i32
    %dma_wait3A_1226 = arith.constant 0 : i32
    %dma_wait3A_1227 = tpu.memref_slice %arg11[%dma_wait3A_1225, %dma_wait3A_1226] : memref<1024x16xf32, #tpu.memory_space<vmem>> -> memref<128x16xf32, #tpu.memory_space<vmem>>
    %dma_wait3A_1228 = arith.constant 0 : i32
    %dma_wait3A_1229 = arith.constant 0 : i32
    %dma_wait3A_1230 = tpu.memref_slice %arg6[%add3A, %dma_wait3A_1228, %dma_wait3A_1229] : memref<32x1024x16xf32, #tpu.memory_space<hbm>> -> memref<1x1024x16xf32, #tpu.memory_space<hbm>>
    %dma_wait3A_1231 = tpu.memref_squeeze %dma_wait3A_1230 : memref<1x1024x16xf32, #tpu.memory_space<hbm>> -> memref<1024x16xf32, #tpu.memory_space<hbm>>
    %dma_wait3A_1232 = arith.constant 640 : i32
    %dma_wait3A_1233 = arith.constant 0 : i32
    %dma_wait3A_1234 = tpu.memref_slice %dma_wait3A_1231[%dma_wait3A_1232, %dma_wait3A_1233] : memref<1024x16xf32, #tpu.memory_space<hbm>> -> memref<128x16xf32, #tpu.memory_space<hbm>>
    %dma_wait3A_1235 = arith.constant 0 : i32
    %dma_wait3A_1236 = arith.constant 0 : i32
    %dma_wait3A_1237 = tpu.memref_slice %arg6[%add3A, %dma_wait3A_1235, %dma_wait3A_1236] : memref<32x1024x16xf32, #tpu.memory_space<hbm>> -> memref<1x1024x16xf32, #tpu.memory_space<hbm>>
    %dma_wait3A_1238 = tpu.memref_squeeze %dma_wait3A_1237 : memref<1x1024x16xf32, #tpu.memory_space<hbm>> -> memref<1024x16xf32, #tpu.memory_space<hbm>>
    %dma_wait3A_1239 = arith.constant 640 : i32
    %dma_wait3A_1240 = arith.constant 0 : i32
    %dma_wait3A_1241 = tpu.memref_slice %dma_wait3A_1238[%dma_wait3A_1239, %dma_wait3A_1240] : memref<1024x16xf32, #tpu.memory_space<hbm>> -> memref<128x16xf32, #tpu.memory_space<hbm>>
    %dma_wait3A_1242 = arith.constant 640 : i32
    %dma_wait3A_1243 = arith.constant 0 : i32
    %dma_wait3A_1244 = tpu.memref_slice %arg11[%dma_wait3A_1242, %dma_wait3A_1243] : memref<1024x16xf32, #tpu.memory_space<vmem>> -> memref<128x16xf32, #tpu.memory_space<vmem>>
    tpu.wait_dma2 semaphore(%arg13 : memref<!tpu.dma_semaphore, #tpu.memory_space<semaphore_mem>>) src(%dma_wait3A_1244 : memref<128x16xf32, #tpu.memory_space<vmem>>) dst(%dma_wait3A_1241 : memref<128x16xf32, #tpu.memory_space<hbm>>)
    %dma_wait3A_1245 = arith.constant 768 : i32
    %dma_wait3A_1246 = arith.constant 0 : i32
    %dma_wait3A_1247 = tpu.memref_slice %arg11[%dma_wait3A_1245, %dma_wait3A_1246] : memref<1024x16xf32, #tpu.memory_space<vmem>> -> memref<128x16xf32, #tpu.memory_space<vmem>>
    %dma_wait3A_1248 = arith.constant 0 : i32
    %dma_wait3A_1249 = arith.constant 0 : i32
    %dma_wait3A_1250 = tpu.memref_slice %arg6[%add3A, %dma_wait3A_1248, %dma_wait3A_1249] : memref<32x1024x16xf32, #tpu.memory_space<hbm>> -> memref<1x1024x16xf32, #tpu.memory_space<hbm>>
    %dma_wait3A_1251 = tpu.memref_squeeze %dma_wait3A_1250 : memref<1x1024x16xf32, #tpu.memory_space<hbm>> -> memref<1024x16xf32, #tpu.memory_space<hbm>>
    %dma_wait3A_1252 = arith.constant 768 : i32
    %dma_wait3A_1253 = arith.constant 0 : i32
    %dma_wait3A_1254 = tpu.memref_slice %dma_wait3A_1251[%dma_wait3A_1252, %dma_wait3A_1253] : memref<1024x16xf32, #tpu.memory_space<hbm>> -> memref<128x16xf32, #tpu.memory_space<hbm>>
    %dma_wait3A_1255 = arith.constant 0 : i32
    %dma_wait3A_1256 = arith.constant 0 : i32
    %dma_wait3A_1257 = tpu.memref_slice %arg6[%add3A, %dma_wait3A_1255, %dma_wait3A_1256] : memref<32x1024x16xf32, #tpu.memory_space<hbm>> -> memref<1x1024x16xf32, #tpu.memory_space<hbm>>
    %dma_wait3A_1258 = tpu.memref_squeeze %dma_wait3A_1257 : memref<1x1024x16xf32, #tpu.memory_space<hbm>> -> memref<1024x16xf32, #tpu.memory_space<hbm>>
    %dma_wait3A_1259 = arith.constant 768 : i32
    %dma_wait3A_1260 = arith.constant 0 : i32
    %dma_wait3A_1261 = tpu.memref_slice %dma_wait3A_1258[%dma_wait3A_1259, %dma_wait3A_1260] : memref<1024x16xf32, #tpu.memory_space<hbm>> -> memref<128x16xf32, #tpu.memory_space<hbm>>
    %dma_wait3A_1262 = arith.constant 768 : i32
    %dma_wait3A_1263 = arith.constant 0 : i32
    %dma_wait3A_1264 = tpu.memref_slice %arg11[%dma_wait3A_1262, %dma_wait3A_1263] : memref<1024x16xf32, #tpu.memory_space<vmem>> -> memref<128x16xf32, #tpu.memory_space<vmem>>
    tpu.wait_dma2 semaphore(%arg13 : memref<!tpu.dma_semaphore, #tpu.memory_space<semaphore_mem>>) src(%dma_wait3A_1264 : memref<128x16xf32, #tpu.memory_space<vmem>>) dst(%dma_wait3A_1261 : memref<128x16xf32, #tpu.memory_space<hbm>>)
    %dma_wait3A_1265 = arith.constant 896 : i32
    %dma_wait3A_1266 = arith.constant 0 : i32
    %dma_wait3A_1267 = tpu.memref_slice %arg11[%dma_wait3A_1265, %dma_wait3A_1266] : memref<1024x16xf32, #tpu.memory_space<vmem>> -> memref<128x16xf32, #tpu.memory_space<vmem>>
    %dma_wait3A_1268 = arith.constant 0 : i32
    %dma_wait3A_1269 = arith.constant 0 : i32
    %dma_wait3A_1270 = tpu.memref_slice %arg6[%add3A, %dma_wait3A_1268, %dma_wait3A_1269] : memref<32x1024x16xf32, #tpu.memory_space<hbm>> -> memref<1x1024x16xf32, #tpu.memory_space<hbm>>
    %dma_wait3A_1271 = tpu.memref_squeeze %dma_wait3A_1270 : memref<1x1024x16xf32, #tpu.memory_space<hbm>> -> memref<1024x16xf32, #tpu.memory_space<hbm>>
    %dma_wait3A_1272 = arith.constant 896 : i32
    %dma_wait3A_1273 = arith.constant 0 : i32
    %dma_wait3A_1274 = tpu.memref_slice %dma_wait3A_1271[%dma_wait3A_1272, %dma_wait3A_1273] : memref<1024x16xf32, #tpu.memory_space<hbm>> -> memref<128x16xf32, #tpu.memory_space<hbm>>
    %dma_wait3A_1275 = arith.constant 0 : i32
    %dma_wait3A_1276 = arith.constant 0 : i32
    %dma_wait3A_1277 = tpu.memref_slice %arg6[%add3A, %dma_wait3A_1275, %dma_wait3A_1276] : memref<32x1024x16xf32, #tpu.memory_space<hbm>> -> memref<1x1024x16xf32, #tpu.memory_space<hbm>>
    %dma_wait3A_1278 = tpu.memref_squeeze %dma_wait3A_1277 : memref<1x1024x16xf32, #tpu.memory_space<hbm>> -> memref<1024x16xf32, #tpu.memory_space<hbm>>
    %dma_wait3A_1279 = arith.constant 896 : i32
    %dma_wait3A_1280 = arith.constant 0 : i32
    %dma_wait3A_1281 = tpu.memref_slice %dma_wait3A_1278[%dma_wait3A_1279, %dma_wait3A_1280] : memref<1024x16xf32, #tpu.memory_space<hbm>> -> memref<128x16xf32, #tpu.memory_space<hbm>>
    %dma_wait3A_1282 = arith.constant 896 : i32
    %dma_wait3A_1283 = arith.constant 0 : i32
    %dma_wait3A_1284 = tpu.memref_slice %arg11[%dma_wait3A_1282, %dma_wait3A_1283] : memref<1024x16xf32, #tpu.memory_space<vmem>> -> memref<128x16xf32, #tpu.memory_space<vmem>>
    tpu.wait_dma2 semaphore(%arg13 : memref<!tpu.dma_semaphore, #tpu.memory_space<semaphore_mem>>) src(%dma_wait3A_1284 : memref<128x16xf32, #tpu.memory_space<vmem>>) dst(%dma_wait3A_1281 : memref<128x16xf32, #tpu.memory_space<hbm>>)
    return
  }
}

module attributes {stable_mosaic.version = 14 : i64} {
  func.func @_mlp_body(%arg0: i32, %arg1: memref<2048x128xf32, #tpu.memory_space<vmem>>, %arg2: memref<2048x128xf32, #tpu.memory_space<vmem>>, %arg3: memref<2048x64xf32, #tpu.memory_space<vmem>>, %arg4: memref<224x128xf32, #tpu.memory_space<vmem>>, %arg5: memref<128xf32, #tpu.memory_space<vmem>>, %arg6: memref<128x64xf32, #tpu.memory_space<vmem>>, %arg7: memref<64xf32, #tpu.memory_space<vmem>>, %arg8: memref<2048x64xf32, #tpu.memory_space<vmem>>) attributes {dimension_semantics = [#tpu.dimension_semantics<arbitrary>], iteration_bounds = array<i64: 2>, scalar_prefetch = 0 : i64, scratch_operands = 0 : i64, tpu.core_type = #tpu.core_type<tc>, window_params = [{transform_indices = @transform_0, window_bounds = array<i64: 2048, 128>}, {transform_indices = @transform_1, window_bounds = array<i64: 2048, 128>}, {transform_indices = @transform_2, window_bounds = array<i64: 2048, 64>}, {pipeline_mode = #tpu.pipeline_mode<synchronous>, transform_indices = @transform_3, window_bounds = array<i64: 224, 128>}, {pipeline_mode = #tpu.pipeline_mode<synchronous>, transform_indices = @transform_4, window_bounds = array<i64: 128>}, {pipeline_mode = #tpu.pipeline_mode<synchronous>, transform_indices = @transform_5, window_bounds = array<i64: 128, 64>}, {pipeline_mode = #tpu.pipeline_mode<synchronous>, transform_indices = @transform_6, window_bounds = array<i64: 64>}, {transform_indices = @transform_7, window_bounds = array<i64: 2048, 64>}]} {
    %get3A = arith.constant 0 : index
    %get3A_0 = arith.constant 0 : index
    %get3A_1 = vector.load %arg1[%get3A, %get3A_0] : memref<2048x128xf32, #tpu.memory_space<vmem>>, vector<2048x128xf32>
    %get3A_2 = arith.constant 0 : index
    %get3A_3 = arith.constant 0 : index
    %get3A_4 = vector.load %arg2[%get3A_2, %get3A_3] : memref<2048x128xf32, #tpu.memory_space<vmem>>, vector<2048x128xf32>
    %get3A_5 = arith.constant 0 : index
    %get3A_6 = arith.constant 0 : index
    %get3A_7 = vector.load %arg4[%get3A_5, %get3A_6] : memref<224x128xf32, #tpu.memory_space<vmem>>, vector<224x128xf32>
    %slice3A = vector.extract_strided_slice %get3A_4 {offsets = [0, 0], sizes = [2048, 32], strides = [1, 1]} : vector<2048x128xf32> to vector<2048x32xf32>
    %slice3A_8 = vector.extract_strided_slice %get3A_7 {offsets = [0, 0], sizes = [32, 128], strides = [1, 1]} : vector<224x128xf32> to vector<32x128xf32>
    %dot_general3A = arith.constant dense<0.000000e+00> : vector<2048x128xf32>
    %dot_general3A_9 = tpu.matmul %slice3A, %slice3A_8, %dot_general3A {dimension_numbers = #tpu.dot_dimension_numbers<[1], [0], [0], [1], [0, 0, 1, 1], [], []>, transpose_lhs_hint = false} : vector<2048x32xf32>, vector<32x128xf32>, vector<2048x128xf32> -> vector<2048x128xf32>
    %slice3A_10 = vector.extract_strided_slice %get3A_7 {offsets = [32, 0], sizes = [128, 128], strides = [1, 1]} : vector<224x128xf32> to vector<128x128xf32>
    %dot_general3A_11 = arith.constant dense<0.000000e+00> : vector<2048x128xf32>
    %dot_general3A_12 = tpu.matmul %get3A_1, %slice3A_10, %dot_general3A_11 {dimension_numbers = #tpu.dot_dimension_numbers<[1], [0], [0], [1], [0, 0, 1, 1], [], []>, transpose_lhs_hint = false} : vector<2048x128xf32>, vector<128x128xf32>, vector<2048x128xf32> -> vector<2048x128xf32>
    %add3A = arith.addf %dot_general3A_9, %dot_general3A_12 : vector<2048x128xf32>
    %get3A_13 = arith.constant 0 : index
    %get3A_14 = arith.constant 0 : index
    %get3A_15 = vector.load %arg3[%get3A_13, %get3A_14] : memref<2048x64xf32, #tpu.memory_space<vmem>>, vector<2048x64xf32>
    %slice3A_16 = vector.extract_strided_slice %get3A_7 {offsets = [160, 0], sizes = [64, 128], strides = [1, 1]} : vector<224x128xf32> to vector<64x128xf32>
    %dot_general3A_17 = arith.constant dense<0.000000e+00> : vector<2048x128xf32>
    %dot_general3A_18 = tpu.matmul %get3A_15, %slice3A_16, %dot_general3A_17 {dimension_numbers = #tpu.dot_dimension_numbers<[1], [0], [0], [1], [0, 0, 1, 1], [], []>, transpose_lhs_hint = false} : vector<2048x64xf32>, vector<64x128xf32>, vector<2048x128xf32> -> vector<2048x128xf32>
    %add3A_19 = arith.addf %add3A, %dot_general3A_18 : vector<2048x128xf32>
    %get3A_20 = arith.constant 0 : index
    %get3A_21 = vector.load %arg5[%get3A_20] : memref<128xf32, #tpu.memory_space<vmem>>, vector<128xf32>
    %broadcast_in_dim3A = vector.shape_cast %get3A_21 : vector<128xf32> to vector<1x128xf32>
    %add3A_22 = vector.broadcast %broadcast_in_dim3A : vector<1x128xf32> to vector<2048x128xf32>
    %add3A_23 = arith.addf %add3A_19, %add3A_22 : vector<2048x128xf32>
    %max3A = arith.constant 0.000000e+00 : f32
    %max3A_24 = vector.broadcast %max3A : f32 to vector<2048x128xf32>
    %max3A_25 = arith.maximumf %add3A_23, %max3A_24 : vector<2048x128xf32>
    %get3A_26 = arith.constant 0 : index
    %get3A_27 = arith.constant 0 : index
    %get3A_28 = vector.load %arg6[%get3A_26, %get3A_27] : memref<128x64xf32, #tpu.memory_space<vmem>>, vector<128x64xf32>
    %dot_general3A_29 = arith.constant dense<0.000000e+00> : vector<2048x64xf32>
    %dot_general3A_30 = tpu.matmul %max3A_25, %get3A_28, %dot_general3A_29 {dimension_numbers = #tpu.dot_dimension_numbers<[1], [0], [0], [1], [0, 0, 1, 1], [], []>, transpose_lhs_hint = false} : vector<2048x128xf32>, vector<128x64xf32>, vector<2048x64xf32> -> vector<2048x64xf32>
    %get3A_31 = arith.constant 0 : index
    %get3A_32 = vector.load %arg7[%get3A_31] : memref<64xf32, #tpu.memory_space<vmem>>, vector<64xf32>
    %broadcast_in_dim3A_33 = vector.shape_cast %get3A_32 : vector<64xf32> to vector<1x64xf32>
    %add3A_34 = vector.broadcast %broadcast_in_dim3A_33 : vector<1x64xf32> to vector<2048x64xf32>
    %add3A_35 = arith.addf %dot_general3A_30, %add3A_34 : vector<2048x64xf32>
    %mul3A = arith.mulf %add3A_35, %add3A_35 : vector<2048x64xf32>
    %reduce_sum3A = arith.constant dense<0.000000e+00> : vector<2048xf32>
    %reduce_sum3A_36 = vector.multi_reduction <add>, %mul3A, %reduce_sum3A [1] : vector<2048x64xf32> to vector<2048xf32>
    %broadcast_in_dim3A_37 = vector.shape_cast %reduce_sum3A_36 : vector<2048xf32> to vector<2048x1xf32>
    %sqrt3A = math.sqrt %broadcast_in_dim3A_37 : vector<2048x1xf32>
    %max3A_38 = arith.constant 9.99999996E-13 : f32
    %max3A_39 = vector.broadcast %max3A_38 : f32 to vector<2048x1xf32>
    %max3A_40 = arith.maximumf %sqrt3A, %max3A_39 : vector<2048x1xf32>
    %div3A = vector.broadcast %max3A_40 : vector<2048x1xf32> to vector<2048x64xf32>
    %div3A_41 = arith.divf %add3A_35, %div3A : vector<2048x64xf32>
    %swap3A = arith.constant 0 : index
    %swap3A_42 = arith.constant 0 : index
    %swap3A_43 = vector.load %arg8[%swap3A, %swap3A_42] : memref<2048x64xf32, #tpu.memory_space<vmem>>, vector<2048x64xf32>
    tpu.vector_store %arg8[%swap3A, %swap3A_42], %div3A_41 {strides = array<i32>} : memref<2048x64xf32, #tpu.memory_space<vmem>>, vector<2048x64xf32>,
    return
  }
  func.func @transform_0(%arg0: i32) -> (i32, i32) {
    %c0_i32 = arith.constant 0 : i32
    %c0_i32_0 = arith.constant 0 : i32
    return %arg0, %c0_i32 : i32, i32
  }
  func.func @transform_1(%arg0: i32) -> (i32, i32) {
    %c0_i32 = arith.constant 0 : i32
    %c0_i32_0 = arith.constant 0 : i32
    return %arg0, %c0_i32 : i32, i32
  }
  func.func @transform_2(%arg0: i32) -> (i32, i32) {
    %c0_i32 = arith.constant 0 : i32
    %c0_i32_0 = arith.constant 0 : i32
    return %arg0, %c0_i32 : i32, i32
  }
  func.func @transform_3(%arg0: i32) -> (i32, i32) {
    %c0_i32 = arith.constant 0 : i32
    %c0_i32_0 = arith.constant 0 : i32
    %c0_i32_1 = arith.constant 0 : i32
    return %c0_i32, %c0_i32_0 : i32, i32
  }
  func.func @transform_4(%arg0: i32) -> i32 {
    %c0_i32 = arith.constant 0 : i32
    %c0_i32_0 = arith.constant 0 : i32
    return %c0_i32 : i32
  }
  func.func @transform_5(%arg0: i32) -> (i32, i32) {
    %c0_i32 = arith.constant 0 : i32
    %c0_i32_0 = arith.constant 0 : i32
    %c0_i32_1 = arith.constant 0 : i32
    return %c0_i32, %c0_i32_0 : i32, i32
  }
  func.func @transform_6(%arg0: i32) -> i32 {
    %c0_i32 = arith.constant 0 : i32
    %c0_i32_0 = arith.constant 0 : i32
    return %c0_i32 : i32
  }
  func.func @transform_7(%arg0: i32) -> (i32, i32) {
    %c0_i32 = arith.constant 0 : i32
    %c0_i32_0 = arith.constant 0 : i32
    return %arg0, %c0_i32 : i32, i32
  }
}

</mosaic_0001>

<sc_bundles>
// kernel: kernel.4.cloned.1.call-start
scs
__scs_entry_jumppad:
0x0: {  	(pc) =	sbr.rel $0x88, $3  }
0x1: {  	(tag) =	ssettag $0x0;
	lr =	simm.s32 $0x1  }
0x2: {  	[smem:$0x3F98] =	sst lr;
	_ =	strace $0xD0000000  }
0x3: {  	_ = 	snop  }
0x4: {  	_ = 	snop  }
0x5: {  	_ = 	snop  }
0x6: {  	_ = 	snop  }
0x7: {  	_ = 	snop  }
__scs_overlays_trampoline_lowered:
0x8: {  	[smem:$0x3FA7] =	sst s0  }
0x9: {  	[smem:$0x3FA8] =	sst s1  }
0xa: {  	[smem:$0x3FA9] =	sst s2  }
0xb: {  	[smem:$0x3FAA] =	sst s3  }
0xc: {  	[smem:$0x3FAB] =	sst s4  }
0xd: {  	[smem:$0x3FAC] =	sst s5  }
0xe: {  	[smem:$0x3FAD] =	sst s6  }
0xf: {  	[smem:$0x3FAE] =	sst s7  }
0x10: {  	[smem:$0x3FAF] =	sst s8  }
0x11: {  	[smem:$0x3FB0] =	sst s9;
	s0 =	simm.s32 @!p0 $0x0  }
0x12: {  	s1 =	sld [smem:$0x3F96];
	s0 =	simm.s32 @p0 $0x1  }
0x13: {  	[smem:$0x3FB1] =	sst s0;
	s0 =	simm.s32 @!p1 $0x0  }
0x14: {  	s2 =	sld [smem:$0x3F95];
	s0 =	simm.s32 @p1 $0x1  }
0x15: {  	[smem:$0x3FB2] =	sst s0;
	s0 =	simm.s32 @!p2 $0x0  }
0x16: {  	s3 =	sld [smem:$0x3FDB];
	s0 =	simm.s32 @p2 $0x1  }
0x17: {  	s4 =	simm.s32 $0x1BF5;
	[smem:$0x3FB4] =	sst s0  }
0x18: {  	s0 =	sld [smem:$0x3F97];
	_ =	swait.ge [sflag:s4], $0x0  }
0x19: {  	s7 =	sld [smem:$0x3F98]  }
0x1a: {  	s8 =	sadd.s32 $0xFFFFE003, lr  }
0x1b: {  	s9 =	sadd.s32 $0xFFFFFEF7, lr;
	s5 =	simm.s32 $0xFFFFFFFF;
	p2 =	slt.u32 s8, $0xFFFFF086  }
0x1c: {  	p1 =	slt.u32 s9, $0xF7A;
	s5 =	simm.s32 @!p2 $0x0  }
0x1d: {  	s5 =	simm.s32 @p1 $0x1;
	p0 =	seq.s32 s7, s2  }
0x1e: {  	s7 =	smul.u32 @!p0 $0xF7A, s2;
	p2 =	seq.s32 @!p0 s5, $0x0  }
0x1f: {  	s9 =	smul.u32 $0xF7A, s1;
	s8 =	simm.s32 @!p0 $0x1BF5;
	p2 =	por !p2, p0  }
0x20: {  	[sflag:s8] =	ssyncset.s32 @!p0 $0xFFFFF086;
	s6 =	sadd.s32 @!p0 s3, s7;
	s7 =	simm.s32 @!p0 $0x108  }
0x21: {  	s3 =	sadd.s32 s3, s9;
	s6 =	sadd.s32 @!p0 $0x88, s6;
	s7 =	simm.s32 @p2 $0x1082  }
0x22: {  	[simem:s7], [sflag:s8] =	dma.local @!p0 [hbm:s6], $0xF7A  }
0x23: {  	s9 =	sor.u32 $0xD0000000, s2;
	s6 =	simm.s32 $0x108;
	_ =	swait.ge @!p0 [sflag:s8], $0x0  }
0x24: {  	s3 =	sadd.s32 $0x88, s3;
	s6 =	simm.s32 @!p1 $0x1082;
	[sflag:s4] =	ssyncset.s32 $0xFFFFF086  }
0x25: {  	[simem:s6], [sflag:s4] =	dma.local [hbm:s3], $0xF7A  }
0x26: {  	[smem:$0x3F98] =	sst s1;
	(tag) =	ssettag s2;
	_ =	strace s9  }
0x27: {  	s1 =	sld [smem:$0x3FA8]  }
0x28: {  	s2 =	sld [smem:$0x3FA9]  }
0x29: {  	s4 =	sld [smem:$0x3FAB]  }
0x2a: {  	p0 =	seq.s32 s5, $0x0;
	s5 =	sld [smem:$0x3FAC]  }
0x2b: {  	s6 =	sld [smem:$0x3FAD]  }
0x2c: {  	s7 =	sld [smem:$0x3FAE]  }
0x2d: {  	s3 =	simm.s32 $0x108;
	s8 =	sld [smem:$0x3FAF]  }
0x2e: {  	s3 =	simm.s32 @!p0 $0x1082;
	s9 =	sld [smem:$0x3FB0]  }
0x2f: {  	lr =	sadd.s32 s0, s3;
	s0 =	sld [smem:$0x3FA7]  }
0x30: {  	s3 =	sld [smem:$0x3FAA]  }
0x31: {  	[smem:$0x3FB3] =	sst s10  }
0x32: {  	s10 =	sld [smem:$0x3FB1];
	_ =	sdelay $0x3  }
0x33: {  	p0 =	seq.s32 s10, $0x1;
	s10 =	sld [smem:$0x3FB3];
	_ =	sdelay $0x3  }
0x34: {  	[smem:$0x3FB3] =	sst s10  }
0x35: {  	s10 =	sld [smem:$0x3FB2];
	_ =	sdelay $0x3  }
0x36: {  	p1 =	seq.s32 s10, $0x1;
	s10 =	sld [smem:$0x3FB3];
	_ =	sdelay $0x3  }
0x37: {  	[smem:$0x3FB3] =	sst s10  }
0x38: {  	s10 =	sld [smem:$0x3FB4]  }
0x39: {  	_ = 	snop;
	(pc) =	sbr.ind lr, $3  }
0x3a: {  	_ = 	snop  }
0x3b: {  	_ = 	snop  }
0x3c: {  	p2 =	seq.s32 s10, $0x1;
	s10 =	sld [smem:$0x3FB3]  }
0x3d: {  	_ =	shalt  }
0x3e: {  	_ =	shalt  }
0x3f: {  	_ =	shalt  }
0x40: {  	_ =	shalt  }
0x41: {  	_ =	shalt  }
0x42: {  	_ =	shalt  }
0x43: {  	_ =	shalt  }
0x44: {  	_ =	shalt  }
0x45: {  	_ =	shalt  }
0x46: {  	_ =	shalt  }
0x47: {  	_ =	shalt  }
0x48: {  	_ =	shalt  }
0x49: {  	_ =	shalt  }
0x4a: {  	_ =	shalt  }
0x4b: {  	_ =	shalt  }
0x4c: {  	_ =	shalt  }
0x4d: {  	_ =	shalt  }
0x4e: {  	_ =	shalt  }
0x4f: {  	_ =	shalt  }
0x50: {  	_ =	shalt  }
0x51: {  	_ =	shalt  }
0x52: {  	_ =	shalt  }
0x53: {  	_ =	shalt  }
0x54: {  	_ =	shalt  }
0x55: {  	_ =	shalt  }
0x56: {  	_ =	shalt  }
0x57: {  	_ =	shalt  }
0x58: {  	_ =	shalt  }
0x59: {  	_ =	shalt  }
0x5a: {  	_ =	shalt  }
0x5b: {  	_ =	shalt  }
0x5c: {  	_ =	shalt  }
0x5d: {  	_ =	shalt  }
0x5e: {  	_ =	shalt  }
0x5f: {  	_ =	shalt  }
0x60: {  	_ =	shalt  }
0x61: {  	_ =	shalt  }
0x62: {  	_ =	shalt  }
0x63: {  	_ =	shalt  }
0x64: {  	_ =	shalt  }
0x65: {  	_ =	shalt  }
0x66: {  	_ =	shalt  }
0x67: {  	_ =	shalt  }
0x68: {  	_ =	shalt  }
0x69: {  	_ =	shalt  }
0x6a: {  	_ =	shalt  }
0x6b: {  	_ =	shalt  }
0x6c: {  	_ =	shalt  }
0x6d: {  	_ =	shalt  }
0x6e: {  	_ =	shalt  }
0x6f: {  	_ =	shalt  }
0x70: {  	_ =	shalt  }
0x71: {  	_ =	shalt  }
0x72: {  	_ =	shalt  }
0x73: {  	_ =	shalt  }
0x74: {  	_ =	shalt  }
0x75: {  	_ =	shalt  }
0x76: {  	_ =	shalt  }
0x77: {  	_ =	shalt  }
0x78: {  	_ =	shalt  }
0x79: {  	_ =	shalt  }
0x7a: {  	_ =	shalt  }
0x7b: {  	_ =	shalt  }
0x7c: {  	_ =	shalt  }
0x7d: {  	_ =	shalt  }
0x7e: {  	_ =	shalt  }
0x7f: {  	_ =	shalt  }
0x80: {  	_ =	shalt  }
0x81: {  	_ =	shalt  }
0x82: {  	_ =	shalt  }
0x83: {  	_ =	shalt  }
0x84: {  	_ =	shalt  }
0x85: {  	_ =	shalt  }
0x86: {  	_ =	shalt  }
0x87: {  	_ =	shalt  }
.Lfunc_end0:
.L_simem_size_0:
called_computation_lowered:
.L_overlay_start_0:
0x88: {  	s2 =	sld [smem:$0x3FD9]  }
0x89: {  	s3 =	sld [smem:$0x3FFE];
	_ =	sdelay $0x1  }
0x8a: {  	s1 =	srdreg.scid  }
0x8b: {  	s0 =	sand.u32 $0x1, s1  }
0x8c: {  	s17 =	sshll.u32 s0, $0xA;
	s2 =	sadd.s32 s3, s2  }
0x8d: {  	s2 =	sadd.s32 s2, s17  }
0x8e: {  	[smem:$0x3FBF] =	sst s2  }
0x8f: {  	_ = 	snop  }
0x90: {  	s2 =	sld [smem:$0x3FC9]  }
0x91: {  	s18 =	sld [smem:$0x3FD0];
	(tm) =	ssettm $0x1  }
0x92: {  	s4 =	sld [smem:$0x3FFB];
	_ =	sdelay $0x3  }
0x93: {  	_ =	strace s4  }
0x94: {  	s4 =	sld [smem:$0x3FFC];
	_ =	sdelay $0x3  }
0x95: {  	_ =	strace s4  }
0x96: {  	s4 =	sld [smem:$0x3FFD];
	_ =	sdelay $0x3  }
0x97: {  	_ =	strace s4  }
0x98: {  	_ =	strace $0x8FFFFFFF  }
0x99: {  	s19 =	sld [smem:$0x3FDB];
	_ =	sdelay $0x1  }
0x9a: {  	s5 =	simm.s32 $_scs_section_size  }
0x9b: {  	s6 =	simm.s32 $_size__tile_overlayer_lowered;
	s7 =	simm.s32 $_tile_overlayer_lowered  }
0x9c: {  	s22 =	simm.s32 $0x1BFF;
	s21 =	sshll.u32 s7, $0x1;
	s4 =	sadd.s32 s5, s19  }
0x9d: {  	s8 =	simm.s32 $0x0;
	s20 =	sshll.u32 s6, $0x1;
	s6 =	sadd.s32 s21, s4  }
0x9e: {  	[timem:s8], [sflag:s22] =	dma.local [hbm:s6], s20  }
0x9f: {  	_ =	swait.ge [sflag:s22], s20  }
0xa0: {  	s5 =	ssub.s32 $0x0, s20;
	[sflag:s22] =	ssyncset.done $0x0  }
0xa1: {  	[sflag:s22] =	ssyncadd.s32 s5;
	_ =	sdelay $0x1  }
0xa2: {  	s23 =	simm.s32 $0x1B8B  }
0xa3: {  	_ =	swait.ge [sflag:s23], $0x1  }
0xa4: {  	[sflag:s23] =	ssyncset.done $0x0  }
0xa5: {  	s25 =	simm.s32 $0x1B8E;
	s24 =	sld [smem:$0x3FFE];
	[sflag:s23] =	ssyncadd.s32 $0xFFFFFFFF  }
0xa6: {  	s26 =	simm.s32 $execute0_lowered;
	[smem:$0x3FD2] =	sst s25  }
0xa7: {  	s6 =	sshll.u32 s26, $0x1;
	_ =	strace $0x80000046;
	[dreg:$0x1] =	wrdreg $0xFFFFFFFF  }
0xa8: {  	s28 =	simm.s32 $_size_execute0_lowered;
	s4 =	sadd.s32 s4, s6;
	[dreg:$0x0] =	wrdreg $0x0  }
0xa9: {  	s6 =	sshll.u32 s28, $0x1;
	[dreg:$0x2] =	wrdreg s4  }
0xaa: {  	[dreg:$0x3] =	wrdreg s6  }
0xab: {  	[dreg:$0x4] =	wrdreg $0xC0  }
0xac: {  	_ =	task [dreg:s8], $0x5FFFF  }
0xad: {  	[dreg:$0x1] =	wrdreg $0xFFFFFFFF  }
0xae: {  	[dreg:$0x0] =	wrdreg $0x60  }
0xaf: {  	[dreg:$0x2] =	wrdreg s18  }
0xb0: {  	[dreg:$0x3] =	wrdreg s24  }
0xb1: {  	[dreg:$0x4] =	wrdreg s2  }
0xb2: {  	[dreg:$0x5] =	wrdreg $0x9  }
0xb3: {  	_ =	task.clear_ibuf [dreg:s8], $0x6FFFF;
	_ =	strace $0x90000046  }
0xb4: {  	s29 =	simm.s32 $0x9;
	_ =	strace $0x80000048  }
0xb5: {  	_ =	swait.ge [sflag:s29], $0x1  }
0xb6: {  	[sflag:s29] =	ssyncadd.s32 $0xFFFFFFFF  }
0xb7: {  	_ =	strace $0x90000048  }
0xb8: {  	_ =	sfence  }
0xb9: {  	s30 =	sld [smem:$0x0];
	_ =	sdelay $0x2  }
0xba: {  	s31 =	sshll.u32 s1, $0xD;
	s1 =	sshrl.u32 s1, $0x2  }
0xbb: {  	s3 =	sand.u32 $0x4000, s31;
	s1 =	sadd.s32 s1, s30  }
0xbc: {  	s0 =	sor.u32 s3, s0;
	s1 =	sshll.u32 s1, $0x11  }
0xbd: {  	s0 =	sor.u32 s1, s0  }
0xbe: {  	s0 =	sadd.s32 $0x8F2B, s0  }
0xbf: {  	[sflag:s0] =	ssyncadd.remote.s32 $0x1  }
0xc0: {  	_ =	sfence.sel $0xFFFF  }
0xc1: {  	[dreg:$0x0] =	wrdreg $0xFFFFFFFF;
	(pc) =	sbr.abs _section_cstart, $3  }
0xc2: {  	[dreg:$0x1] =	wrdreg $0xFFFFFFFF  }
0xc3: {  	_ =	task.clear_ibuf [dreg:s8], $0x2FFFF;
	_ =	strace $0x9FFFFFFF  }
0xc4: {  	(tm) =	ssettm $0x7FFFFFFF  }
0xc5: {  	_ =	shalt  }
tec
execute0_lowered:
.L_overlay_start_1:
0x0: {  	(tag) =	ssettag $0x1  }
0x1: {  	s0 =	rddreg [dreg:$0x0]  }
0x2: {  	s4 =	rddreg [dreg:$0x1]  }
0x3: {  	s5 =	rddreg [dreg:$0x2];
	s2 =	simm.s32 $0x0;
	s3 =	srdreg.scid  }
0x4: {  	s1 =	stileid.u32;
	s10 =	simm.s32 $0x100;
	s11 =	simm.s32 $0x1C80  }
0x5: {  	s12 =	simm.s32 $0x180;
	s13 =	simm.s32 $0x2480;
	s14 =	simm.s32 $0x200  }
0x6: {  	s15 =	simm.s32 $0x2C80;
	s16 =	simm.s32 $0x280;
	s17 =	simm.s32 $0x3480  }
0x7: {  	s18 =	simm.s32 $0x300;
	s19 =	simm.s32 $0x3C80;
	s20 =	simm.s32 $0x380  }
0x8: {  	s21 =	simm.s32 $0x4480;
	s22 =	simm.s32 $0x400;
	s23 =	simm.s32 $0x4C80  }
0x9: {  	s24 =	simm.s32 $0x20;
	s25 =	simm.s32 $0x2;
	[dreg:$0x4] =	wrdreg s0  }
0xa: {  	s0 =	rddreg [dreg:$0x3];
	s6 =	sand.u32 $0x1, s3;
	s7 =	sshll.u32 s1, $0x1  }
0xb: {  	[smem:$0x7FF] =	sst s2;
	s3 =	sadd.s32 $0x2A00, s4;
	s7 =	sor.u32 s6, s7  }
0xc: {  	_ =	strace $0x80000047;
	s6 =	ssub.s32 $0x2, s6;
	s8 =	sshll.u32 s7, $0x7  }
0xd: {  	s9 =	sshll.u32 s7, $0xB;
	s7 =	sshll.u32 s7, $0x4;
	s30 =	sshrl.u32 s6, $0x1  }
0xe: {  	s8 =	sadd.s32 s8, s4;
	s4 =	sadd.s32 s9, s4;
	s5 =	sadd.s32 s5, s7  }
0xf: {  	s6 =	ssub.s32 s6, s30;
	s7 =	simm.s32 $0x1;
	s9 =	simm.s32 $0x1480  }
0x10: {  	v0 =	vlaneseq.u32;
	[dreg:$0x5] =	wrdreg s5;
	s29 =	sadd.s32 $0x1A00, s8;
	s31 =	sadd.s32 $0x16A00, s4  }
0x11: {  	v0 =	vand.u32 $0x7, v0;
	s4 =	sadd.s32 $0x6A00, s4;
	s5 =	smax.u32 s6, $0x1;
	[dreg:$0x6] =	wrdreg s29  }
0x12: {  	v0 =	vmul.u32 $0x3E8, v0;
	s6 =	simm.s32 $0x80;
	s8 =	simm.s32 $0x480;
	[dreg:$0x7] =	wrdreg s31  }
.LBB2_1:
0x13: {  	s26 =	rddreg [dreg:$0x5]  }
0x14: {  	[tilespmem:s2], [sflag:$0x1] =	stream.linear.gather [hbm4b:s26+s2], $0x80, $0x38;
	[tilespmem:$0x5480] =	vst v63  }
0x15: {  	s28 =	rddreg [dreg:$0x6]  }
0x16: {  	[tilespmem:s6], [sflag:$0x1] =	stream.linear.gather [hbm4b:s28+s2], $0x400, $0x38;
	[tilespmem:$0x5480] =	vst v63  }
0x17: {  	_ =	swait.ge [sflag:s7], $0x80  }
0x18: {  	[sflag:s7] =	ssyncset.done $0x0  }
0x19: {  	[sflag:s7] =	ssyncadd.s32 $0xFFFFFF80  }
0x1a: {  	_ =	swait.ge [sflag:s7], $0x400  }
0x1b: {  	[sflag:s7] =	ssyncset.done $0x0  }
0x1c: {  	s31 =	rddreg [dreg:$0x4];
	[sflag:s7] =	ssyncadd.s32 $0xFFFFFC00  }
0x1d: {  	[tilespmem:s8], [sflag:$0x1] =	stream.indirect.gather [hbm4b:s31+s6], $0x20, s2, s6, $0xb8;
	[tilespmem:$0x5480] =	vst v63  }
0x1e: {  	v1 =	vld [tilespmem:$0x80]  }
0x1f: {  	v2 =	vld [tilespmem:$0x90]  }
0x20: {  	v3 =	vld [tilespmem:$0xA0]  }
0x21: {  	v4 =	vld [tilespmem:$0xB0]  }
0x22: {  	v5 =	vld [tilespmem:$0xC0]  }
0x23: {  	v6 =	vld [tilespmem:$0xD0];
	v1 =	vadd.s32 v0, v1  }
0x24: {  	[tilespmem:$0x80] =	vst v1;
	v1 =	vadd.s32 v0, v2;
	v2 =	vld [tilespmem:$0xE0]  }
0x25: {  	[tilespmem:$0x90] =	vst v1;
	v1 =	vadd.s32 v0, v3;
	v3 =	vld [tilespmem:$0xF0]  }
0x26: {  	[tilespmem:$0xA0] =	vst v1;
	v1 =	vadd.s32 v0, v4  }
0x27: {  	[tilespmem:$0xB0] =	vst v1;
	v1 =	vadd.s32 v0, v5  }
0x28: {  	[tilespmem:$0xC0] =	vst v1;
	v1 =	vadd.s32 v0, v6  }
0x29: {  	[tilespmem:$0xD0] =	vst v1;
	v1 =	vadd.s32 v0, v2  }
0x2a: {  	[tilespmem:$0xE0] =	vst v1;
	v1 =	vadd.s32 v0, v3  }
0x2b: {  	[tilespmem:$0xF0] =	vst v1  }
0x2c: {  	[tilespmem:s9], [sflag:$0x1] =	stream.indirect.gather [hbm4b:s3+s6], $0x10, s6, s6, $0xb8;
	[tilespmem:$0x5480] =	vst v63  }
0x2d: {  	v1 =	vld [tilespmem:$0x100]  }
0x2e: {  	v2 =	vld [tilespmem:$0x110]  }
0x2f: {  	v3 =	vld [tilespmem:$0x120]  }
0x30: {  	v43 =	vld [tilespmem:$0x130]  }
0x31: {  	v44 =	vld [tilespmem:$0x140]  }
0x32: {  	v45 =	vld [tilespmem:$0x150];
	v1 =	vadd.s32 v0, v1  }
0x33: {  	[tilespmem:$0x100] =	vst v1;
	v1 =	vadd.s32 v0, v2;
	v2 =	vld [tilespmem:$0x160]  }
0x34: {  	[tilespmem:$0x110] =	vst v1;
	v1 =	vadd.s32 v0, v3;
	v3 =	vld [tilespmem:$0x170]  }
0x35: {  	[tilespmem:$0x120] =	vst v1;
	v1 =	vadd.s32 v0, v43  }
0x36: {  	[tilespmem:$0x130] =	vst v1;
	v1 =	vadd.s32 v0, v44  }
0x37: {  	[tilespmem:$0x140] =	vst v1;
	v1 =	vadd.s32 v0, v45  }
0x38: {  	[tilespmem:$0x150] =	vst v1;
	v1 =	vadd.s32 v0, v2  }
0x39: {  	[tilespmem:$0x160] =	vst v1;
	v1 =	vadd.s32 v0, v3  }
0x3a: {  	[tilespmem:$0x170] =	vst v1  }
0x3b: {  	[tilespmem:s11], [sflag:$0x1] =	stream.indirect.gather [hbm4b:s3+s6], $0x10, s10, s6, $0xb8;
	[tilespmem:$0x5480] =	vst v63  }
0x3c: {  	v1 =	vld [tilespmem:$0x180]  }
0x3d: {  	v2 =	vld [tilespmem:$0x190]  }
0x3e: {  	v3 =	vld [tilespmem:$0x1A0]  }
0x3f: {  	v46 =	vld [tilespmem:$0x1B0]  }
0x40: {  	v47 =	vld [tilespmem:$0x1C0]  }
0x41: {  	v48 =	vld [tilespmem:$0x1D0];
	v1 =	vadd.s32 v0, v1  }
0x42: {  	[tilespmem:$0x180] =	vst v1;
	v1 =	vadd.s32 v0, v2;
	v2 =	vld [tilespmem:$0x1E0]  }
0x43: {  	[tilespmem:$0x190] =	vst v1;
	v1 =	vadd.s32 v0, v3;
	v3 =	vld [tilespmem:$0x1F0]  }
0x44: {  	[tilespmem:$0x1A0] =	vst v1;
	v1 =	vadd.s32 v0, v46  }
0x45: {  	[tilespmem:$0x1B0] =	vst v1;
	v1 =	vadd.s32 v0, v47  }
0x46: {  	[tilespmem:$0x1C0] =	vst v1;
	v1 =	vadd.s32 v0, v48  }
0x47: {  	[tilespmem:$0x1D0] =	vst v1;
	v1 =	vadd.s32 v0, v2  }
0x48: {  	[tilespmem:$0x1E0] =	vst v1;
	v1 =	vadd.s32 v0, v3  }
0x49: {  	[tilespmem:$0x1F0] =	vst v1  }
0x4a: {  	[tilespmem:s13], [sflag:$0x1] =	stream.indirect.gather [hbm4b:s3+s6], $0x10, s12, s6, $0xb8;
	[tilespmem:$0x5480] =	vst v63  }
0x4b: {  	v1 =	vld [tilespmem:$0x200]  }
0x4c: {  	v2 =	vld [tilespmem:$0x210]  }
0x4d: {  	v3 =	vld [tilespmem:$0x220]  }
0x4e: {  	v49 =	vld [tilespmem:$0x230]  }
0x4f: {  	v50 =	vld [tilespmem:$0x240]  }
0x50: {  	v51 =	vld [tilespmem:$0x250];
	v1 =	vadd.s32 v0, v1  }
0x51: {  	[tilespmem:$0x200] =	vst v1;
	v1 =	vadd.s32 v0, v2;
	v2 =	vld [tilespmem:$0x260]  }
0x52: {  	[tilespmem:$0x210] =	vst v1;
	v1 =	vadd.s32 v0, v3;
	v3 =	vld [tilespmem:$0x270]  }
0x53: {  	[tilespmem:$0x220] =	vst v1;
	v1 =	vadd.s32 v0, v49  }
0x54: {  	[tilespmem:$0x230] =	vst v1;
	v1 =	vadd.s32 v0, v50  }
0x55: {  	[tilespmem:$0x240] =	vst v1;
	v1 =	vadd.s32 v0, v51  }
0x56: {  	[tilespmem:$0x250] =	vst v1;
	v1 =	vadd.s32 v0, v2  }
0x57: {  	[tilespmem:$0x260] =	vst v1;
	v1 =	vadd.s32 v0, v3  }
0x58: {  	[tilespmem:$0x270] =	vst v1  }
0x59: {  	[tilespmem:s15], [sflag:$0x1] =	stream.indirect.gather [hbm4b:s3+s6], $0x10, s14, s6, $0xb8;
	[tilespmem:$0x5480] =	vst v63  }
0x5a: {  	v1 =	vld [tilespmem:$0x280]  }
0x5b: {  	v2 =	vld [tilespmem:$0x290]  }
0x5c: {  	v3 =	vld [tilespmem:$0x2A0]  }
0x5d: {  	v52 =	vld [tilespmem:$0x2B0]  }
0x5e: {  	v53 =	vld [tilespmem:$0x2C0]  }
0x5f: {  	v54 =	vld [tilespmem:$0x2D0];
	v1 =	vadd.s32 v0, v1  }
0x60: {  	[tilespmem:$0x280] =	vst v1;
	v1 =	vadd.s32 v0, v2;
	v2 =	vld [tilespmem:$0x2E0]  }
0x61: {  	[tilespmem:$0x290] =	vst v1;
	v1 =	vadd.s32 v0, v3;
	v3 =	vld [tilespmem:$0x2F0]  }
0x62: {  	[tilespmem:$0x2A0] =	vst v1;
	v1 =	vadd.s32 v0, v52  }
0x63: {  	[tilespmem:$0x2B0] =	vst v1;
	v1 =	vadd.s32 v0, v53  }
0x64: {  	[tilespmem:$0x2C0] =	vst v1;
	v1 =	vadd.s32 v0, v54  }
0x65: {  	[tilespmem:$0x2D0] =	vst v1;
	v1 =	vadd.s32 v0, v2  }
0x66: {  	[tilespmem:$0x2E0] =	vst v1;
	v1 =	vadd.s32 v0, v3  }
0x67: {  	[tilespmem:$0x2F0] =	vst v1  }
0x68: {  	[tilespmem:s17], [sflag:$0x1] =	stream.indirect.gather [hbm4b:s3+s6], $0x10, s16, s6, $0xb8;
	[tilespmem:$0x5480] =	vst v63  }
0x69: {  	v1 =	vld [tilespmem:$0x300]  }
0x6a: {  	v2 =	vld [tilespmem:$0x310]  }
0x6b: {  	v3 =	vld [tilespmem:$0x320]  }
0x6c: {  	v55 =	vld [tilespmem:$0x330]  }
0x6d: {  	v56 =	vld [tilespmem:$0x340]  }
0x6e: {  	v57 =	vld [tilespmem:$0x350];
	v1 =	vadd.s32 v0, v1  }
0x6f: {  	[tilespmem:$0x300] =	vst v1;
	v1 =	vadd.s32 v0, v2;
	v2 =	vld [tilespmem:$0x360]  }
0x70: {  	[tilespmem:$0x310] =	vst v1;
	v1 =	vadd.s32 v0, v3;
	v3 =	vld [tilespmem:$0x370]  }
0x71: {  	[tilespmem:$0x320] =	vst v1;
	v1 =	vadd.s32 v0, v55  }
0x72: {  	[tilespmem:$0x330] =	vst v1;
	v1 =	vadd.s32 v0, v56  }
0x73: {  	[tilespmem:$0x340] =	vst v1;
	v1 =	vadd.s32 v0, v57  }
0x74: {  	[tilespmem:$0x350] =	vst v1;
	v1 =	vadd.s32 v0, v2  }
0x75: {  	[tilespmem:$0x360] =	vst v1;
	v1 =	vadd.s32 v0, v3  }
0x76: {  	[tilespmem:$0x370] =	vst v1  }
0x77: {  	[tilespmem:s19], [sflag:$0x1] =	stream.indirect.gather [hbm4b:s3+s6], $0x10, s18, s6, $0xb8;
	[tilespmem:$0x5480] =	vst v63  }
0x78: {  	v1 =	vld [tilespmem:$0x380]  }
0x79: {  	v2 =	vld [tilespmem:$0x390]  }
0x7a: {  	v3 =	vld [tilespmem:$0x3A0]  }
0x7b: {  	v58 =	vld [tilespmem:$0x3B0]  }
0x7c: {  	v59 =	vld [tilespmem:$0x3C0]  }
0x7d: {  	v60 =	vld [tilespmem:$0x3D0];
	v1 =	vadd.s32 v0, v1  }
0x7e: {  	[tilespmem:$0x380] =	vst v1;
	v1 =	vadd.s32 v0, v2;
	v2 =	vld [tilespmem:$0x3E0]  }
0x7f: {  	[tilespmem:$0x390] =	vst v1;
	v1 =	vadd.s32 v0, v3;
	v3 =	vld [tilespmem:$0x3F0]  }
0x80: {  	[tilespmem:$0x3A0] =	vst v1;
	v1 =	vadd.s32 v0, v58  }
0x81: {  	[tilespmem:$0x3B0] =	vst v1;
	v1 =	vadd.s32 v0, v59  }
0x82: {  	[tilespmem:$0x3C0] =	vst v1;
	v1 =	vadd.s32 v0, v60  }
0x83: {  	[tilespmem:$0x3D0] =	vst v1;
	v1 =	vadd.s32 v0, v2  }
0x84: {  	[tilespmem:$0x3E0] =	vst v1;
	v1 =	vadd.s32 v0, v3  }
0x85: {  	[tilespmem:$0x3F0] =	vst v1  }
0x86: {  	[tilespmem:s21], [sflag:$0x1] =	stream.indirect.gather [hbm4b:s3+s6], $0x10, s20, s6, $0xb8;
	[tilespmem:$0x5480] =	vst v63  }
0x87: {  	v1 =	vld [tilespmem:$0x400]  }
0x88: {  	v2 =	vld [tilespmem:$0x410]  }
0x89: {  	v3 =	vld [tilespmem:$0x420]  }
0x8a: {  	v61 =	vld [tilespmem:$0x430]  }
0x8b: {  	v62 =	vld [tilespmem:$0x440]  }
0x8c: {  	v63 =	vld [tilespmem:$0x450];
	v1 =	vadd.s32 v0, v1  }
0x8d: {  	[tilespmem:$0x400] =	vst v1;
	v1 =	vadd.s32 v0, v2;
	v2 =	vld [tilespmem:$0x460]  }
0x8e: {  	[tilespmem:$0x410] =	vst v1;
	v1 =	vadd.s32 v0, v3;
	v3 =	vld [tilespmem:$0x470]  }
0x8f: {  	[tilespmem:$0x420] =	vst v1;
	v1 =	vadd.s32 v0, v61  }
0x90: {  	[tilespmem:$0x430] =	vst v1;
	v1 =	vadd.s32 v0, v62  }
0x91: {  	[tilespmem:$0x440] =	vst v1;
	v1 =	vadd.s32 v0, v63  }
0x92: {  	[tilespmem:$0x450] =	vst v1;
	v1 =	vadd.s32 v0, v2  }
0x93: {  	[tilespmem:$0x460] =	vst v1;
	v1 =	vadd.s32 v0, v3  }
0x94: {  	[tilespmem:$0x470] =	vst v1  }
0x95: {  	[tilespmem:s23], [sflag:$0x1] =	stream.indirect.gather [hbm4b:s3+s6], $0x10, s22, s6, $0xb8;
	[tilespmem:$0x5480] =	vst v63  }
0x96: {  	_ =	swait.ge [sflag:s7], $0x1000  }
0x97: {  	[sflag:s7] =	ssyncset.done $0x0  }
0x98: {  	s28 =	rddreg [dreg:$0x7];
	[sflag:s7] =	ssyncadd.s32 $0xFFFFF000  }
0x99: {  	[hbm4b:s28+s24] =	stream.strided.scatter [tilespmem:s8], [sflag:$0x2], $0x1000, s6, s24, $0x38;
	[tilespmem:$0x5480] =	vst v63  }
0x9a: {  	_ =	swait.ge [sflag:s7], $0x800  }
0x9b: {  	[sflag:s7] =	ssyncset.done $0x0  }
0x9c: {  	[sflag:s7] =	ssyncadd.s32 $0xFFFFF800  }
0x9d: {  	[hbm4b:s4+s2] =	stream.linear.scatter [tilespmem:s9], [sflag:$0x2], $0x800, $0x38;
	[tilespmem:$0x5480] =	vst v63  }
0x9e: {  	_ =	swait.ge [sflag:s7], $0x800  }
0x9f: {  	[sflag:s7] =	ssyncset.done $0x0  }
0xa0: {  	s29 =	sadd.s32 $0x100, s4;
	[sflag:s7] =	ssyncadd.s32 $0xFFFFF800  }
0xa1: {  	[hbm4b:s29+s2] =	stream.linear.scatter [tilespmem:s11], [sflag:$0x2], $0x800, $0x38;
	[tilespmem:$0x5480] =	vst v63  }
0xa2: {  	_ =	swait.ge [sflag:s7], $0x800  }
0xa3: {  	[sflag:s7] =	ssyncset.done $0x0  }
0xa4: {  	s30 =	sadd.s32 $0x200, s4;
	[sflag:s7] =	ssyncadd.s32 $0xFFFFF800  }
0xa5: {  	[hbm4b:s30+s2] =	stream.linear.scatter [tilespmem:s13], [sflag:$0x2], $0x800, $0x38;
	[tilespmem:$0x5480] =	vst v63  }
0xa6: {  	_ =	swait.ge [sflag:s7], $0x800  }
0xa7: {  	[sflag:s7] =	ssyncset.done $0x0  }
0xa8: {  	s31 =	sadd.s32 $0x300, s4;
	[sflag:s7] =	ssyncadd.s32 $0xFFFFF800  }
0xa9: {  	[hbm4b:s31+s2] =	stream.linear.scatter [tilespmem:s15], [sflag:$0x2], $0x800, $0x38;
	[tilespmem:$0x5480] =	vst v63  }
0xaa: {  	_ =	swait.ge [sflag:s7], $0x800  }
0xab: {  	[sflag:s7] =	ssyncset.done $0x0  }
0xac: {  	s28 =	sadd.s32 $0x400, s4;
	[sflag:s7] =	ssyncadd.s32 $0xFFFFF800  }
0xad: {  	[hbm4b:s28+s2] =	stream.linear.scatter [tilespmem:s17], [sflag:$0x2], $0x800, $0x38;
	[tilespmem:$0x5480] =	vst v63  }
0xae: {  	_ =	swait.ge [sflag:s7], $0x800  }
0xaf: {  	[sflag:s7] =	ssyncset.done $0x0  }
0xb0: {  	s29 =	sadd.s32 $0x500, s4;
	[sflag:s7] =	ssyncadd.s32 $0xFFFFF800  }
0xb1: {  	[hbm4b:s29+s2] =	stream.linear.scatter [tilespmem:s19], [sflag:$0x2], $0x800, $0x38;
	[tilespmem:$0x5480] =	vst v63  }
0xb2: {  	_ =	swait.ge [sflag:s7], $0x800  }
0xb3: {  	[sflag:s7] =	ssyncset.done $0x0  }
0xb4: {  	s30 =	sadd.s32 $0x600, s4;
	[sflag:s7] =	ssyncadd.s32 $0xFFFFF800  }
0xb5: {  	[hbm4b:s30+s2] =	stream.linear.scatter [tilespmem:s21], [sflag:$0x2], $0x800, $0x38;
	[tilespmem:$0x5480] =	vst v63  }
0xb6: {  	_ =	swait.ge [sflag:s7], $0x800  }
0xb7: {  	[sflag:s7] =	ssyncset.done $0x0  }
0xb8: {  	s31 =	sadd.s32 $0x700, s4;
	[sflag:s7] =	ssyncadd.s32 $0xFFFFF800  }
0xb9: {  	[hbm4b:s31+s2] =	stream.linear.scatter [tilespmem:s23], [sflag:$0x2], $0x800, $0x38;
	[tilespmem:$0x5480] =	vst v63  }
0xba: {  	_ =	swait.ge [sflag:s25], $0x1000  }
0xbb: {  	[sflag:s25] =	ssyncset.done $0x0  }
0xbc: {  	[sflag:s25] =	ssyncadd.s32 $0xFFFFF000  }
0xbd: {  	_ =	swait.ge [sflag:s25], $0x800  }
0xbe: {  	[sflag:s25] =	ssyncset.done $0x0  }
0xbf: {  	[sflag:s25] =	ssyncadd.s32 $0xFFFFF800  }
0xc0: {  	_ =	swait.ge [sflag:s25], $0x800  }
0xc1: {  	[sflag:s25] =	ssyncset.done $0x0  }
0xc2: {  	[sflag:s25] =	ssyncadd.s32 $0xFFFFF800  }
0xc3: {  	_ =	swait.ge [sflag:s25], $0x800  }
0xc4: {  	[sflag:s25] =	ssyncset.done $0x0  }
0xc5: {  	[sflag:s25] =	ssyncadd.s32 $0xFFFFF800  }
0xc6: {  	_ =	swait.ge [sflag:s25], $0x800  }
0xc7: {  	[sflag:s25] =	ssyncset.done $0x0  }
0xc8: {  	[sflag:s25] =	ssyncadd.s32 $0xFFFFF800  }
0xc9: {  	_ =	swait.ge [sflag:s25], $0x800  }
0xca: {  	[sflag:s25] =	ssyncset.done $0x0  }
0xcb: {  	[sflag:s25] =	ssyncadd.s32 $0xFFFFF800  }
0xcc: {  	_ =	swait.ge [sflag:s25], $0x800  }
0xcd: {  	[sflag:s25] =	ssyncset.done $0x0  }
0xce: {  	[sflag:s25] =	ssyncadd.s32 $0xFFFFF800  }
0xcf: {  	p0 =	sne.s32 s5, $0x1;
	_ =	swait.ge [sflag:s25], $0x800  }
.Ltmp0:
0xd0: {  	[sflag:s25] =	ssyncset.done $0x0;
	(pc) =	sbr.rel @p0 .LBB2_1-.Ltmp0, $4  }
0xd1: {  	[sflag:s25] =	ssyncadd.s32 $0xFFFFF800  }
0xd2: {  	_ =	swait.ge [sflag:s25], $0x800  }
0xd3: {  	[sflag:s25] =	ssyncset.done $0x0  }
0xd4: {  	s5 =	sadd.s32 $0xFFFFFFFF, s5;
	[sflag:s25] =	ssyncadd.s32 $0xFFFFF800  }
0xd5: {  	_ =	sfence.sel $0x180000  }
0xd6: {  	[bflag:$0x0] =	sbarrier.arrive $0xFFFF  }
0xd7: {  	p0 =	sne.s32 s1, $0x0;
	_ =	strace $0x90000047  }
0xd8: {  	s0 =	sadd.s32 @!p0 $0x100000, s0;
	[bflag:$0x2] =	sbarrier.arrive $0xFFFF  }
0xd9: {  	[sflag:s0] =	ssyncadd.tile.s32 @!p0 $0x1;
	_ =	shalt  }
.Lfunc_end2:
_tile_overlayer_lowered:
.L_overlay_start_2:
0xda: {  	(tag) =	ssettag $0x2  }
0xdb: {  	s0 =	rddreg [dreg:$0x0];
	s2 =	stileid.u32  }
0xdc: {  	s1 =	rddreg [dreg:$0x1];
	p0 =	sne.s32 s2, $0x0  }
0xdd: {  	s3 =	rddreg [dreg:$0x2];
	[bflag:$0x3] =	sbarrier.arrive $0xFFFF;
	s2 =	simm.s32 @!p0 $0x1C03  }
0xde: {  	[timem:s3], [sflag:s2] =	dma.local @!p0 [hbm:s0], s1  }
0xdf: {  	s0 =	simm.s32 @!p0 $0x3  }
0xe0: {  	_ =	swait.ge @!p0 [sflag:s0], s1  }
0xe1: {  	s1 =	ssub.s32 @!p0 $0x0, s1;
	[sflag:s0] =	ssyncset.done @!p0 $0x0  }
0xe2: {  	[sflag:s0] =	ssyncadd.s32 @!p0 s1  }
0xe3: {  	[bflag:$0x3] =	sbarrier.arrive $0xFFFF  }
0xe4: {  	_ =	shalt  }

</sc_bundles>
